<compile_context>
chip_gen: v7x
topology: tpu7x:2x2x1
jax: 0.10.2.dev20260603
libtpu: 0.0.44.dev20260713+nightly
codegen_flags: <defaults>
</compile_context>

<pallas_src>
import functools

import jax
import jax.numpy as jnp
from jax import lax
from jax.experimental import pallas as pl
from jax.experimental.pallas import tpu as pltpu
from jax.experimental.pallas import tpu_sc as plsc

N = 10000
E = 320000
B = 64
DF = 128
H = 64

NC = 2
NS = 16
HP = 64
CH = 100
EPT = E // NS
NCHUNK = 200
EPTP = NCHUNK * CH
NBUF = 4
NWIN = 2
WCH = NCHUNK // NWIN
NITER = WCH // NBUF
RA = 632
RB = N - (NS - 1) * RA

BR = 2000
NBLK = N // BR


def _sc_scatter_body(table, src, dst, out, sidx, didx,
                     rows, gsems, ssem, acc):
    c = lax.axis_index("c")
    s = lax.axis_index("s")
    gbase = c * N
    rbase = s * RA

    @pl.when(s < NS - 1)
    def _():
        pltpu.sync_copy(table.at[pl.ds(gbase + rbase, RA)], acc.at[pl.ds(rbase, RA)])

    @pl.when(s == NS - 1)
    def _():
        pltpu.sync_copy(table.at[pl.ds(gbase + rbase, RB)], acc.at[pl.ds(rbase, RB)])

    plsc.subcore_barrier()

    pltpu.sync_copy(src.at[c, s], sidx)
    pltpu.sync_copy(dst.at[c, s], didx)

    def wait_gather(j, buf, sem):
        pltpu.make_async_copy(table.at[sidx.at[j]], buf, sem).wait()

    pltpu.async_copy(table.at[sidx.at[0]], rows[0], gsems[0])
    wait_gather(0, rows[0], gsems[0])
    pltpu.async_copy(table.at[sidx.at[1]], rows[1], gsems[1])
    pltpu.sync_copy(rows[0], acc.at[didx.at[0]], add=True)

    def pair(k, carry):
        jb = 2 * k + 1
        ja = 2 * k + 2
        pltpu.async_copy(table.at[sidx.at[ja]], rows[0], gsems[0])
        wait_gather(jb, rows[1], gsems[1])
        pltpu.sync_copy(rows[1], acc.at[didx.at[jb]], add=True)
        pltpu.async_copy(table.at[sidx.at[ja + 1]], rows[1], gsems[1])
        wait_gather(ja, rows[0], gsems[0])
        pltpu.sync_copy(rows[0], acc.at[didx.at[ja]], add=True)
        return carry

    lax.fori_loop(0, NCHUNK // 2 - 1, pair, 0)
    wait_gather(NCHUNK - 1, rows[1], gsems[1])
    pltpu.sync_copy(rows[1], acc.at[didx.at[NCHUNK - 1]], add=True)
    plsc.subcore_barrier()

    @pl.when(s < NS - 1)
    def _():
        pltpu.sync_copy(acc.at[pl.ds(rbase, RA)], out.at[pl.ds(gbase + rbase, RA)])

    @pl.when(s == NS - 1)
    def _():
        pltpu.sync_copy(acc.at[pl.ds(rbase, RB)], out.at[pl.ds(gbase + rbase, RB)])


@functools.cache
def _make_sc_scatter():
    return pl.kernel(
        _sc_scatter_body,
        out_type=jax.ShapeDtypeStruct((NC * N, HP), jnp.float32),
        mesh=plsc.VectorSubcoreMesh(
            core_axis_name="c", subcore_axis_name="s",
            num_cores=NC, num_subcores=NS,
        ),
        scratch_types=[
            pltpu.VMEM((NCHUNK, CH), jnp.int32),
            pltpu.VMEM((NCHUNK, CH), jnp.int32),
            [pltpu.VMEM((CH, HP), jnp.float32) for _ in range(2)],
            [pltpu.SemaphoreType.DMA for _ in range(2)],
            pltpu.SemaphoreType.DMA,
            pltpu.VMEM_SHARED((N + 8, HP), jnp.float32),
        ],
        compiler_params=pltpu.CompilerParams(use_tc_tiling_on_sc=False),
    )


def _sc_scatter(table, src, dst):
    return _make_sc_scatter()(table, src, dst)


def _pad_cols(a):
    if HP == H:
        return a
    return jnp.concatenate(
        [a, jnp.zeros((a.shape[0], HP - H), jnp.float32)], axis=1)


def _proj_body(x_ref, w_ref, o_ref):
    o_ref[...] = _pad_cols(jnp.dot(
        x_ref[0], w_ref[...], preferred_element_type=jnp.float32
    ))[None]


def _mid_body(o1_ref, ba_ref, wb_ref, bb_ref, g_ref, b_ref, wa2_ref, o_ref):
    t = jnp.maximum(o1_ref[0, :, :H] + ba_ref[...], 0.0)
    u = jnp.dot(t, wb_ref[...], preferred_element_type=jnp.float32) + bb_ref[...]
    mu = jnp.mean(u, axis=-1, keepdims=True)
    var = jnp.mean((u - mu) ** 2, axis=-1, keepdims=True)
    v = (u - mu) * lax.rsqrt(var + 1e-5) * g_ref[...] + b_ref[...]
    v = jnp.maximum(v, 0.0)
    o_ref[...] = _pad_cols(
        jnp.dot(v, wa2_ref[...], preferred_element_type=jnp.float32))[None]


def _pool_body(o2_ref, ba_ref, wb_ref, bb_ref, g_ref, b_ref, seg_ref, o_ref, acc):
    j = pl.program_id(1)
    t = jnp.maximum(o2_ref[0, :, :H] + ba_ref[...], 0.0)
    u = jnp.dot(t, wb_ref[...], preferred_element_type=jnp.float32) + bb_ref[...]
    mu = jnp.mean(u, axis=-1, keepdims=True)
    var = jnp.mean((u - mu) ** 2, axis=-1, keepdims=True)
    v = (u - mu) * lax.rsqrt(var + 1e-5) * g_ref[...] + b_ref[...]
    v = jnp.maximum(v, 0.0)
    seg = seg_ref[0, 0]
    gid = lax.broadcasted_iota(jnp.int32, (B, BR), 0).astype(jnp.float32)
    P = (gid == seg[None, :]).astype(jnp.float32)
    vaug = jnp.concatenate([v, jnp.ones((BR, H), jnp.float32)], axis=1)
    blk = jnp.dot(P, vaug, preferred_element_type=jnp.float32)

    @pl.when(j == 0)
    def _():
        acc[...] = blk

    @pl.when(j > 0)
    def _():
        acc[...] = acc[...] + blk

    s = acc[:, :H]
    cnt = acc[:, H : H + 1]
    o_ref[...] = (s + s / jnp.maximum(cnt, 1.0))[None]


def _head_body(comb_ref, w1_ref, b1_ref, w2_ref, b2_ref, w3_ref, b3_ref, o_ref):
    h = jnp.maximum(
        jnp.dot(comb_ref[...], w1_ref[...], preferred_element_type=jnp.float32)
        + b1_ref[...], 0.0)
    h = jnp.maximum(
        jnp.dot(h, w2_ref[...], preferred_element_type=jnp.float32)
        + b2_ref[...], 0.0)
    o_ref[...] = (
        jnp.dot(h, w3_ref[...], preferred_element_type=jnp.float32) + b3_ref[...]
    )


def _row2d(v):
    return v.reshape(1, -1)


def kernel(x1, edge_index1, batch1, x2, edge_index2, batch2, d1, d2,
           c1Wa, c1ba, c1Wb, c1bb, ln1g, ln1b, c2Wa, c2ba, c2Wb, c2bb,
           ln2g, ln2b, fc1W, fc1b, fc2W, fc2b, outW, outb):
    f32 = jnp.float32

    X = jnp.stack([x1, x2])
    pad = ((0, 0), (0, EPTP - EPT))
    src = jnp.stack([
        jnp.pad(edge_index1[0].astype(jnp.int32).reshape(NS, EPT), pad),
        jnp.pad(edge_index2[0].astype(jnp.int32).reshape(NS, EPT), pad) + N,
    ]).reshape(NC, NS, NCHUNK, CH)
    dst = jnp.stack([
        jnp.pad(edge_index1[1].astype(jnp.int32).reshape(NS, EPT), pad,
                constant_values=N),
        jnp.pad(edge_index2[1].astype(jnp.int32).reshape(NS, EPT), pad,
                constant_values=N),
    ]).reshape(NC, NS, NCHUNK, CH)
    segf = jnp.stack([batch1, batch2]).astype(f32).reshape(NC * NBLK, 1, BR)

    xp = pl.pallas_call(
        _proj_body,
        grid=(NC, NBLK),
        in_specs=[
            pl.BlockSpec((1, BR, DF), lambda g, j: (g, j, 0)),
            pl.BlockSpec((DF, H), lambda g, j: (0, 0)),
        ],
        out_specs=pl.BlockSpec((1, BR, HP), lambda g, j: (g, j, 0)),
        out_shape=jax.ShapeDtypeStruct((NC, N, HP), f32),
    )(X, c1Wa)

    o1 = _sc_scatter(xp.reshape(NC * N, HP), src, dst).reshape(NC, N, HP)

    vec_spec = pl.BlockSpec((1, H), lambda g, j: (0, 0))
    mat_spec = pl.BlockSpec((H, H), lambda g, j: (0, 0))
    hp = pl.pallas_call(
        _mid_body,
        grid=(NC, NBLK),
        in_specs=[
            pl.BlockSpec((1, BR, HP), lambda g, j: (g, j, 0)),
            vec_spec, mat_spec, vec_spec, vec_spec, vec_spec, mat_spec,
        ],
        out_specs=pl.BlockSpec((1, BR, HP), lambda g, j: (g, j, 0)),
        out_shape=jax.ShapeDtypeStruct((NC, N, HP), f32),
    )(o1, _row2d(c1ba), c1Wb, _row2d(c1bb), _row2d(ln1g), _row2d(ln1b), c2Wa)

    o2 = _sc_scatter(hp.reshape(NC * N, HP), src, dst).reshape(NC, N, HP)

    emb = pl.pallas_call(
        _pool_body,
        grid=(NC, NBLK),
        in_specs=[
            pl.BlockSpec((1, BR, HP), lambda g, j: (g, j, 0)),
            vec_spec, mat_spec, vec_spec, vec_spec, vec_spec,
            pl.BlockSpec((1, 1, BR), lambda g, j: (g * NBLK + j, 0, 0)),
        ],
        out_specs=pl.BlockSpec((1, B, H), lambda g, j: (g, 0, 0)),
        out_shape=jax.ShapeDtypeStruct((NC, B, H), f32),
        scratch_shapes=[pltpu.VMEM((B, 2 * H), f32)],
    )(o2, _row2d(c2ba), c2Wb, _row2d(c2bb), _row2d(ln2g), _row2d(ln2b), segf)

    comb = jnp.concatenate([emb[0], emb[1], d1, d2], axis=1)
    out = pl.pallas_call(
        _head_body,
        out_shape=jax.ShapeDtypeStruct((B, 1), f32),
    )(comb, fc1W, _row2d(fc1b), fc2W, _row2d(fc2b), outW, _row2d(outb))
    return out

# --- scband reference (transcript-rebuilt; emitter-appended) ---
"""Pipeline reference for scband-gnnmodel-30142080483538 (READ-ONLY COPY).

The authoritative reference and input builder live on the scoring server;
editing this copy changes nothing except your own understanding.
"""

import jax, jax.numpy as jnp
import numpy as np

N = 10000
E = 320000
B = 64
DF = 128
H = 64
DD = 5

def _mlp(h, Wa, ba, Wb, bb):
    h = jnp.dot(h, Wa) + ba
    h = jax.nn.relu(h)
    return jnp.dot(h, Wb) + bb

def _gin(x, ei, Wa, ba, Wb, bb):
    src = ei[0]
    dst = ei[1]
    agg = jnp.zeros(x.shape, x.dtype).at[dst].add(x[src])
    return _mlp(x + agg, Wa, ba, Wb, bb)

def _ln(x, g, b):
    mu = jnp.mean(x, axis=-1, keepdims=True)
    var = jnp.mean((x - mu) ** 2, axis=-1, keepdims=True)
    return (x - mu) / jnp.sqrt(var + 1e-5) * g + b

def _fwd_one(x, ei, batch, p):
    h = jax.nn.relu(_ln(_gin(x, ei, p['c1Wa'], p['c1ba'], p['c1Wb'], p['c1bb']), p['ln1g'], p['ln1b']))
    h = jax.nn.relu(_ln(_gin(h, ei, p['c2Wa'], p['c2ba'], p['c2Wb'], p['c2bb']), p['ln2g'], p['ln2b']))
    s = jax.ops.segment_sum(h, batch, num_segments=B)
    cnt = jax.ops.segment_sum(jnp.ones((h.shape[0], 1), h.dtype), batch, num_segments=B)
    m = s / jnp.maximum(cnt, 1.0)
    return s + m

def setup_inputs(seed: int = 0):
    key = jax.random.key(seed)
    ks = jax.random.split(key, 30)
    inp = {}
    inp['x1'] = jax.random.normal(ks[0], (N, DF), dtype=jnp.float32)
    inp['edge_index1'] = jax.random.randint(ks[1], (2, E), 0, N)
    inp['batch1'] = jnp.sort(jax.random.randint(ks[2], (N,), 0, B))
    inp['x2'] = jax.random.normal(ks[3], (N, DF), dtype=jnp.float32)
    inp['edge_index2'] = jax.random.randint(ks[4], (2, E), 0, N)
    inp['batch2'] = jnp.sort(jax.random.randint(ks[5], (N,), 0, B))
    inp['d1'] = jax.random.normal(ks[6], (B, DD), dtype=jnp.float32)
    inp['d2'] = jax.random.normal(ks[7], (B, DD), dtype=jnp.float32)
    inp['c1Wa'] = jax.random.normal(ks[8], (DF, H), dtype=jnp.float32) * 0.05
    inp['c1ba'] = jnp.zeros((H,), dtype=jnp.float32)
    inp['c1Wb'] = jax.random.normal(ks[9], (H, H), dtype=jnp.float32) * 0.05
    inp['c1bb'] = jnp.zeros((H,), dtype=jnp.float32)
    inp['ln1g'] = jnp.ones((H,), dtype=jnp.float32)
    inp['ln1b'] = jnp.zeros((H,), dtype=jnp.float32)
    inp['c2Wa'] = jax.random.normal(ks[10], (H, H), dtype=jnp.float32) * 0.05
    inp['c2ba'] = jnp.zeros((H,), dtype=jnp.float32)
    inp['c2Wb'] = jax.random.normal(ks[11], (H, H), dtype=jnp.float32) * 0.05
    inp['c2bb'] = jnp.zeros((H,), dtype=jnp.float32)
    inp['ln2g'] = jnp.ones((H,), dtype=jnp.float32)
    inp['ln2b'] = jnp.zeros((H,), dtype=jnp.float32)
    inp['fc1W'] = jax.random.normal(ks[12], (2 * H + 2 * DD, 128), dtype=jnp.float32) * 0.05
    inp['fc1b'] = jnp.zeros((128,), dtype=jnp.float32)
    inp['fc2W'] = jax.random.normal(ks[13], (128, 64), dtype=jnp.float32) * 0.05
    inp['fc2b'] = jnp.zeros((64,), dtype=jnp.float32)
    inp['outW'] = jax.random.normal(ks[14], (64, 1), dtype=jnp.float32) * 0.05
    inp['outb'] = jnp.zeros((1,), dtype=jnp.float32)
    return inp

def reference(x1, edge_index1, batch1, x2, edge_index2, batch2, d1, d2, c1Wa, c1ba, c1Wb, c1bb, ln1g, ln1b, c2Wa, c2ba, c2Wb, c2bb, ln2g, ln2b, fc1W, fc1b, fc2W, fc2b, outW, outb):
    p = {'c1Wa': c1Wa, 'c1ba': c1ba, 'c1Wb': c1Wb, 'c1bb': c1bb, 'ln1g': ln1g, 'ln1b': ln1b, 'c2Wa': c2Wa, 'c2ba': c2ba, 'c2Wb': c2Wb, 'c2bb': c2bb, 'ln2g': ln2g, 'ln2b': ln2b}
    emb1 = _fwd_one(x1, edge_index1, batch1, p)
    emb2 = _fwd_one(x2, edge_index2, batch2, p)
    comb = jnp.concatenate([emb1, emb2, d1, d2], axis=1)
    h = jax.nn.relu(jnp.dot(comb, fc1W) + fc1b)
    h = jax.nn.relu(jnp.dot(h, fc2W) + fc2b)
    return jnp.dot(h, outW) + outb

if __name__ == "__main__":
    import jax
    _d = setup_inputs()
    print(jax.jit(kernel)(*tuple(_d.values())))

</pallas_src>

<mosaic_0001>
#map = affine_map<(d0, d1) -> (0, 0)>
#map1 = affine_map<(d0, d1) -> (0, 0, 0, 0)>
module attributes {stable_mosaic.version = 14 : i64} {
  func.func @_sc_scatter_body(%arg0: i32, %arg1: i32, %arg2: memref<20000x64xf32, #tpu.memory_space<hbm>>, %arg3: memref<2x16x200x100xi32, #tpu.memory_space<hbm>>, %arg4: memref<2x16x200x100xi32, #tpu.memory_space<hbm>>, %arg5: memref<20000x64xf32, #tpu.memory_space<hbm>>, %arg6: memref<200x100xi32, #tpu.memory_space<vmem>>, %arg7: memref<200x100xi32, #tpu.memory_space<vmem>>, %arg8: memref<100x64xf32, #tpu.memory_space<vmem>>, %arg9: memref<100x64xf32, #tpu.memory_space<vmem>>, %arg10: memref<!tpu.dma_semaphore, #tpu.memory_space<semaphore_mem>>, %arg11: memref<!tpu.dma_semaphore, #tpu.memory_space<semaphore_mem>>, %arg12: memref<!tpu.dma_semaphore, #tpu.memory_space<semaphore_mem>>, %arg13: memref<10008x64xf32, #tpu.memory_space<vmem_shared>>) attributes {dimension_semantics = [#tpu.dimension_semantics<core_parallel>, #tpu.dimension_semantics<subcore_parallel>], iteration_bounds = array<i64: 2, 16>, scalar_prefetch = 0 : i64, scratch_operands = 8 : i64, tpu.core_type = #tpu.core_type<sc_vector_subcore>, window_params = [{transform_indices = #map}, {transform_indices = #map1}, {transform_indices = #map1}, {transform_indices = #map}]} {
    %mul3A = arith.constant 10000 : i32
    %mul3A_0 = arith.muli %arg0, %mul3A : i32
    %mul3A_1 = arith.constant 632 : i32
    %mul3A_2 = arith.muli %arg1, %mul3A_1 : i32
    %lt3A = arith.constant 15 : i32
    %lt3A_3 = arith.cmpi slt, %arg1, %lt3A : i32
    %convert_element_type3A = arith.extui %lt3A_3 : i1 to i32
    %cond3A = arith.constant 0 : i32
    %cond3A_4 = arith.cmpi ne, %convert_element_type3A, %cond3A : i32
    scf.if %cond3A_4 {
      %add3A = arith.addi %mul3A_0, %mul3A_2 : i32
      "tpu.region"() ({
        %run_scoped3A_52 = tpu.sem_alloc : memref<!tpu.dma_semaphore, #tpu.memory_space<semaphore_mem>>
        %dma_start3A_53 = arith.constant 0 : i32
        %dma_start3A_54 = tpu.memref_slice %arg13[%mul3A_2, %dma_start3A_53] : memref<10008x64xf32, #tpu.memory_space<vmem_shared>> -> memref<632x64xf32, #tpu.memory_space<vmem_shared>>
        %dma_start3A_55 = arith.constant 0 : i32
        %dma_start3A_56 = tpu.memref_slice %arg2[%add3A, %dma_start3A_55] : memref<20000x64xf32, #tpu.memory_space<hbm>> -> memref<632x64xf32, #tpu.memory_space<hbm>>
        tpu.enqueue_dma source(%dma_start3A_56 : memref<632x64xf32, #tpu.memory_space<hbm>>) target(%dma_start3A_54 : memref<632x64xf32, #tpu.memory_space<vmem_shared>>) target_semaphore(%run_scoped3A_52 : memref<!tpu.dma_semaphore, #tpu.memory_space<semaphore_mem>>)
        %dma_wait3A_57 = arith.constant 0 : i32
        %dma_wait3A_58 = tpu.memref_slice %arg13[%mul3A_2, %dma_wait3A_57] : memref<10008x64xf32, #tpu.memory_space<vmem_shared>> -> memref<632x64xf32, #tpu.memory_space<vmem_shared>>
        %dma_wait3A_59 = arith.constant 0 : i32
        %dma_wait3A_60 = tpu.memref_slice %arg2[%add3A, %dma_wait3A_59] : memref<20000x64xf32, #tpu.memory_space<hbm>> -> memref<632x64xf32, #tpu.memory_space<hbm>>
        tpu.wait_dma2 semaphore(%run_scoped3A_52 : memref<!tpu.dma_semaphore, #tpu.memory_space<semaphore_mem>>) src(%dma_wait3A_60 : memref<632x64xf32, #tpu.memory_space<hbm>>) dst(%dma_wait3A_58 : memref<632x64xf32, #tpu.memory_space<vmem_shared>>)
        tpu.yield
      }) : () -> ()
    } else {
    }
    %eq3A = arith.constant 15 : i32
    %eq3A_5 = arith.cmpi eq, %arg1, %eq3A : i32
    %convert_element_type3A_6 = arith.extui %eq3A_5 : i1 to i32
    %cond3A_7 = arith.constant 0 : i32
    %cond3A_8 = arith.cmpi ne, %convert_element_type3A_6, %cond3A_7 : i32
    scf.if %cond3A_8 {
      %add3A = arith.addi %mul3A_0, %mul3A_2 : i32
      "tpu.region"() ({
        %run_scoped3A_52 = tpu.sem_alloc : memref<!tpu.dma_semaphore, #tpu.memory_space<semaphore_mem>>
        %dma_start3A_53 = arith.constant 0 : i32
        %dma_start3A_54 = tpu.memref_slice %arg13[%mul3A_2, %dma_start3A_53] : memref<10008x64xf32, #tpu.memory_space<vmem_shared>> -> memref<520x64xf32, #tpu.memory_space<vmem_shared>>
        %dma_start3A_55 = arith.constant 0 : i32
        %dma_start3A_56 = tpu.memref_slice %arg2[%add3A, %dma_start3A_55] : memref<20000x64xf32, #tpu.memory_space<hbm>> -> memref<520x64xf32, #tpu.memory_space<hbm>>
        tpu.enqueue_dma source(%dma_start3A_56 : memref<520x64xf32, #tpu.memory_space<hbm>>) target(%dma_start3A_54 : memref<520x64xf32, #tpu.memory_space<vmem_shared>>) target_semaphore(%run_scoped3A_52 : memref<!tpu.dma_semaphore, #tpu.memory_space<semaphore_mem>>)
        %dma_wait3A_57 = arith.constant 0 : i32
        %dma_wait3A_58 = tpu.memref_slice %arg13[%mul3A_2, %dma_wait3A_57] : memref<10008x64xf32, #tpu.memory_space<vmem_shared>> -> memref<520x64xf32, #tpu.memory_space<vmem_shared>>
        %dma_wait3A_59 = arith.constant 0 : i32
        %dma_wait3A_60 = tpu.memref_slice %arg2[%add3A, %dma_wait3A_59] : memref<20000x64xf32, #tpu.memory_space<hbm>> -> memref<520x64xf32, #tpu.memory_space<hbm>>
        tpu.wait_dma2 semaphore(%run_scoped3A_52 : memref<!tpu.dma_semaphore, #tpu.memory_space<semaphore_mem>>) src(%dma_wait3A_60 : memref<520x64xf32, #tpu.memory_space<hbm>>) dst(%dma_wait3A_58 : memref<520x64xf32, #tpu.memory_space<vmem_shared>>)
        tpu.yield
      }) : () -> ()
    } else {
    }
    %barrier3A = arith.constant 0 : index
    tpu.barrier barrier_id(%barrier3A)
    "tpu.region"() ({
      %run_scoped3A_52 = tpu.sem_alloc : memref<!tpu.dma_semaphore, #tpu.memory_space<semaphore_mem>>
      %dma_start3A_53 = arith.constant 0 : i32
      %dma_start3A_54 = arith.constant 0 : i32
      %dma_start3A_55 = tpu.memref_slice %arg3[%arg0, %arg1, %dma_start3A_53, %dma_start3A_54] : memref<2x16x200x100xi32, #tpu.memory_space<hbm>> -> memref<1x1x200x100xi32, #tpu.memory_space<hbm>>
      %dma_start3A_56 = tpu.memref_squeeze %dma_start3A_55 : memref<1x1x200x100xi32, #tpu.memory_space<hbm>> -> memref<200x100xi32, #tpu.memory_space<hbm>>
      %dma_start3A_57 = arith.constant 0 : i32
      %dma_start3A_58 = arith.constant 0 : i32
      %dma_start3A_59 = tpu.memref_slice %arg3[%arg0, %arg1, %dma_start3A_57, %dma_start3A_58] : memref<2x16x200x100xi32, #tpu.memory_space<hbm>> -> memref<1x1x200x100xi32, #tpu.memory_space<hbm>>
      %dma_start3A_60 = tpu.memref_squeeze %dma_start3A_59 : memref<1x1x200x100xi32, #tpu.memory_space<hbm>> -> memref<200x100xi32, #tpu.memory_space<hbm>>
      tpu.enqueue_dma source(%dma_start3A_60 : memref<200x100xi32, #tpu.memory_space<hbm>>) target(%arg6 : memref<200x100xi32, #tpu.memory_space<vmem>>) target_semaphore(%run_scoped3A_52 : memref<!tpu.dma_semaphore, #tpu.memory_space<semaphore_mem>>)
      %dma_wait3A_61 = arith.constant 0 : i32
      %dma_wait3A_62 = arith.constant 0 : i32
      %dma_wait3A_63 = tpu.memref_slice %arg3[%arg0, %arg1, %dma_wait3A_61, %dma_wait3A_62] : memref<2x16x200x100xi32, #tpu.memory_space<hbm>> -> memref<1x1x200x100xi32, #tpu.memory_space<hbm>>
      %dma_wait3A_64 = tpu.memref_squeeze %dma_wait3A_63 : memref<1x1x200x100xi32, #tpu.memory_space<hbm>> -> memref<200x100xi32, #tpu.memory_space<hbm>>
      %dma_wait3A_65 = arith.constant 0 : i32
      %dma_wait3A_66 = arith.constant 0 : i32
      %dma_wait3A_67 = tpu.memref_slice %arg3[%arg0, %arg1, %dma_wait3A_65, %dma_wait3A_66] : memref<2x16x200x100xi32, #tpu.memory_space<hbm>> -> memref<1x1x200x100xi32, #tpu.memory_space<hbm>>
      %dma_wait3A_68 = tpu.memref_squeeze %dma_wait3A_67 : memref<1x1x200x100xi32, #tpu.memory_space<hbm>> -> memref<200x100xi32, #tpu.memory_space<hbm>>
      tpu.wait_dma2 semaphore(%run_scoped3A_52 : memref<!tpu.dma_semaphore, #tpu.memory_space<semaphore_mem>>) src(%dma_wait3A_68 : memref<200x100xi32, #tpu.memory_space<hbm>>) dst(%arg6 : memref<200x100xi32, #tpu.memory_space<vmem>>)
      tpu.yield
    }) : () -> ()
    "tpu.region"() ({
      %run_scoped3A_52 = tpu.sem_alloc : memref<!tpu.dma_semaphore, #tpu.memory_space<semaphore_mem>>
      %dma_start3A_53 = arith.constant 0 : i32
      %dma_start3A_54 = arith.constant 0 : i32
      %dma_start3A_55 = tpu.memref_slice %arg4[%arg0, %arg1, %dma_start3A_53, %dma_start3A_54] : memref<2x16x200x100xi32, #tpu.memory_space<hbm>> -> memref<1x1x200x100xi32, #tpu.memory_space<hbm>>
      %dma_start3A_56 = tpu.memref_squeeze %dma_start3A_55 : memref<1x1x200x100xi32, #tpu.memory_space<hbm>> -> memref<200x100xi32, #tpu.memory_space<hbm>>
      %dma_start3A_57 = arith.constant 0 : i32
      %dma_start3A_58 = arith.constant 0 : i32
      %dma_start3A_59 = tpu.memref_slice %arg4[%arg0, %arg1, %dma_start3A_57, %dma_start3A_58] : memref<2x16x200x100xi32, #tpu.memory_space<hbm>> -> memref<1x1x200x100xi32, #tpu.memory_space<hbm>>
      %dma_start3A_60 = tpu.memref_squeeze %dma_start3A_59 : memref<1x1x200x100xi32, #tpu.memory_space<hbm>> -> memref<200x100xi32, #tpu.memory_space<hbm>>
      tpu.enqueue_dma source(%dma_start3A_60 : memref<200x100xi32, #tpu.memory_space<hbm>>) target(%arg7 : memref<200x100xi32, #tpu.memory_space<vmem>>) target_semaphore(%run_scoped3A_52 : memref<!tpu.dma_semaphore, #tpu.memory_space<semaphore_mem>>)
      %dma_wait3A_61 = arith.constant 0 : i32
      %dma_wait3A_62 = arith.constant 0 : i32
      %dma_wait3A_63 = tpu.memref_slice %arg4[%arg0, %arg1, %dma_wait3A_61, %dma_wait3A_62] : memref<2x16x200x100xi32, #tpu.memory_space<hbm>> -> memref<1x1x200x100xi32, #tpu.memory_space<hbm>>
      %dma_wait3A_64 = tpu.memref_squeeze %dma_wait3A_63 : memref<1x1x200x100xi32, #tpu.memory_space<hbm>> -> memref<200x100xi32, #tpu.memory_space<hbm>>
      %dma_wait3A_65 = arith.constant 0 : i32
      %dma_wait3A_66 = arith.constant 0 : i32
      %dma_wait3A_67 = tpu.memref_slice %arg4[%arg0, %arg1, %dma_wait3A_65, %dma_wait3A_66] : memref<2x16x200x100xi32, #tpu.memory_space<hbm>> -> memref<1x1x200x100xi32, #tpu.memory_space<hbm>>
      %dma_wait3A_68 = tpu.memref_squeeze %dma_wait3A_67 : memref<1x1x200x100xi32, #tpu.memory_space<hbm>> -> memref<200x100xi32, #tpu.memory_space<hbm>>
      tpu.wait_dma2 semaphore(%run_scoped3A_52 : memref<!tpu.dma_semaphore, #tpu.memory_space<semaphore_mem>>) src(%dma_wait3A_68 : memref<200x100xi32, #tpu.memory_space<hbm>>) dst(%arg7 : memref<200x100xi32, #tpu.memory_space<vmem>>)
      tpu.yield
    }) : () -> ()
    %dma_start3A = arith.constant 0 : i32
    %dma_start3A_9 = arith.constant 0 : i32
    %dma_start3A_10 = tpu.memref_slice %arg6[%dma_start3A, %dma_start3A_9] : memref<200x100xi32, #tpu.memory_space<vmem>> -> memref<1x100xi32, #tpu.memory_space<vmem>>
    %dma_start3A_11 = tpu.memref_squeeze %dma_start3A_10 : memref<1x100xi32, #tpu.memory_space<vmem>> -> memref<100xi32, #tpu.memory_space<vmem>>
    %dma_start3A_12 = arith.constant 0 : i32
    %dma_start3A_13 = arith.constant 0 : i32
    %dma_start3A_14 = tpu.memref_slice %arg2[%dma_start3A_12, %dma_start3A_13] : memref<20000x64xf32, #tpu.memory_space<hbm>> -> memref<20000x64xf32, #tpu.memory_space<hbm>>
    tpu.enqueue_indirect_dma source(%dma_start3A_14 : memref<20000x64xf32, #tpu.memory_space<hbm>>) target(%arg8 : memref<100x64xf32, #tpu.memory_space<vmem>>) offsets(%dma_start3A_11 : memref<100xi32, #tpu.memory_space<vmem>>) semaphore(%arg10 : memref<!tpu.dma_semaphore, #tpu.memory_space<semaphore_mem>>)
    %dma_wait3A = arith.constant 0 : i32
    %dma_wait3A_15 = arith.constant 0 : i32
    %dma_wait3A_16 = tpu.memref_slice %arg6[%dma_wait3A, %dma_wait3A_15] : memref<200x100xi32, #tpu.memory_space<vmem>> -> memref<1x100xi32, #tpu.memory_space<vmem>>
    %dma_wait3A_17 = tpu.memref_squeeze %dma_wait3A_16 : memref<1x100xi32, #tpu.memory_space<vmem>> -> memref<100xi32, #tpu.memory_space<vmem>>
    %dma_wait3A_18 = arith.constant 0 : i32
    %dma_wait3A_19 = arith.constant 0 : i32
    %dma_wait3A_20 = tpu.memref_slice %arg2[%dma_wait3A_18, %dma_wait3A_19] : memref<20000x64xf32, #tpu.memory_space<hbm>> -> memref<20000x64xf32, #tpu.memory_space<hbm>>
    tpu.wait_indirect_dma semaphore(%arg10 : memref<!tpu.dma_semaphore, #tpu.memory_space<semaphore_mem>>) src(%dma_wait3A_20 : memref<20000x64xf32, #tpu.memory_space<hbm>>) dst(%arg8 : memref<100x64xf32, #tpu.memory_space<vmem>>)
    %dma_start3A_21 = arith.constant 1 : i32
    %dma_start3A_22 = arith.constant 0 : i32
    %dma_start3A_23 = tpu.memref_slice %arg6[%dma_start3A_21, %dma_start3A_22] : memref<200x100xi32, #tpu.memory_space<vmem>> -> memref<1x100xi32, #tpu.memory_space<vmem>>
    %dma_start3A_24 = tpu.memref_squeeze %dma_start3A_23 : memref<1x100xi32, #tpu.memory_space<vmem>> -> memref<100xi32, #tpu.memory_space<vmem>>
    %dma_start3A_25 = arith.constant 0 : i32
    %dma_start3A_26 = arith.constant 0 : i32
    %dma_start3A_27 = tpu.memref_slice %arg2[%dma_start3A_25, %dma_start3A_26] : memref<20000x64xf32, #tpu.memory_space<hbm>> -> memref<20000x64xf32, #tpu.memory_space<hbm>>
    tpu.enqueue_indirect_dma source(%dma_start3A_27 : memref<20000x64xf32, #tpu.memory_space<hbm>>) target(%arg9 : memref<100x64xf32, #tpu.memory_space<vmem>>) offsets(%dma_start3A_24 : memref<100xi32, #tpu.memory_space<vmem>>) semaphore(%arg11 : memref<!tpu.dma_semaphore, #tpu.memory_space<semaphore_mem>>)
    %run_scoped3A = arith.constant 0 : i32
    "tpu.region"() ({
      %run_scoped3A_52 = tpu.sem_alloc : memref<!tpu.dma_semaphore, #tpu.memory_space<semaphore_mem>>
      %dma_start3A_53 = arith.constant 0 : i32
      %dma_start3A_54 = tpu.memref_slice %arg7[%run_scoped3A, %dma_start3A_53] : memref<200x100xi32, #tpu.memory_space<vmem>> -> memref<1x100xi32, #tpu.memory_space<vmem>>
      %dma_start3A_55 = tpu.memref_squeeze %dma_start3A_54 : memref<1x100xi32, #tpu.memory_space<vmem>> -> memref<100xi32, #tpu.memory_space<vmem>>
      %dma_start3A_56 = arith.constant 0 : i32
      %dma_start3A_57 = arith.constant 0 : i32
      %dma_start3A_58 = tpu.memref_slice %arg13[%dma_start3A_56, %dma_start3A_57] : memref<10008x64xf32, #tpu.memory_space<vmem_shared>> -> memref<10008x64xf32, #tpu.memory_space<vmem_shared>>
      tpu.enqueue_indirect_dma source(%arg8 : memref<100x64xf32, #tpu.memory_space<vmem>>) target(%dma_start3A_58 : memref<10008x64xf32, #tpu.memory_space<vmem_shared>>) offsets(%dma_start3A_55 : memref<100xi32, #tpu.memory_space<vmem>>) semaphore(%run_scoped3A_52 : memref<!tpu.dma_semaphore, #tpu.memory_space<semaphore_mem>>) {add = true}
      %dma_wait3A_59 = arith.constant 0 : i32
      %dma_wait3A_60 = tpu.memref_slice %arg7[%run_scoped3A, %dma_wait3A_59] : memref<200x100xi32, #tpu.memory_space<vmem>> -> memref<1x100xi32, #tpu.memory_space<vmem>>
      %dma_wait3A_61 = tpu.memref_squeeze %dma_wait3A_60 : memref<1x100xi32, #tpu.memory_space<vmem>> -> memref<100xi32, #tpu.memory_space<vmem>>
      %dma_wait3A_62 = arith.constant 0 : i32
      %dma_wait3A_63 = arith.constant 0 : i32
      %dma_wait3A_64 = tpu.memref_slice %arg13[%dma_wait3A_62, %dma_wait3A_63] : memref<10008x64xf32, #tpu.memory_space<vmem_shared>> -> memref<10008x64xf32, #tpu.memory_space<vmem_shared>>
      tpu.wait_indirect_dma semaphore(%run_scoped3A_52 : memref<!tpu.dma_semaphore, #tpu.memory_space<semaphore_mem>>) src(%arg8 : memref<100x64xf32, #tpu.memory_space<vmem>>) dst(%dma_wait3A_64 : memref<10008x64xf32, #tpu.memory_space<vmem_shared>>)
      tpu.yield
    }) : () -> ()
    %scan3A = arith.constant 0 : i32
    %scan3A_28 = arith.constant 0 : i32
    %scan3A_29 = arith.constant 99 : i32
    %scan3A_30 = arith.addi %scan3A_28, %scan3A_29 : i32
    %scan3A_31 = arith.constant 1 : i32
    scf.for %scan3A_52 = %scan3A_28 to %scan3A_30 step %scan3A_31  : i32 {
      %mul3A_53 = arith.constant 2 : i32
      %mul3A_54 = arith.muli %mul3A_53, %scan3A_52 : i32
      %add3A = arith.constant 1 : i32
      %add3A_55 = arith.addi %mul3A_54, %add3A : i32
      %mul3A_56 = arith.constant 2 : i32
      %mul3A_57 = arith.muli %mul3A_56, %scan3A_52 : i32
      %add3A_58 = arith.constant 2 : i32
      %add3A_59 = arith.addi %mul3A_57, %add3A_58 : i32
      %dma_start3A_60 = arith.constant 0 : i32
      %dma_start3A_61 = tpu.memref_slice %arg6[%add3A_59, %dma_start3A_60] : memref<200x100xi32, #tpu.memory_space<vmem>> -> memref<1x100xi32, #tpu.memory_space<vmem>>
      %dma_start3A_62 = tpu.memref_squeeze %dma_start3A_61 : memref<1x100xi32, #tpu.memory_space<vmem>> -> memref<100xi32, #tpu.memory_space<vmem>>
      %dma_start3A_63 = arith.constant 0 : i32
      %dma_start3A_64 = arith.constant 0 : i32
      %dma_start3A_65 = tpu.memref_slice %arg2[%dma_start3A_63, %dma_start3A_64] : memref<20000x64xf32, #tpu.memory_space<hbm>> -> memref<20000x64xf32, #tpu.memory_space<hbm>>
      tpu.enqueue_indirect_dma source(%dma_start3A_65 : memref<20000x64xf32, #tpu.memory_space<hbm>>) target(%arg8 : memref<100x64xf32, #tpu.memory_space<vmem>>) offsets(%dma_start3A_62 : memref<100xi32, #tpu.memory_space<vmem>>) semaphore(%arg10 : memref<!tpu.dma_semaphore, #tpu.memory_space<semaphore_mem>>)
      %dma_wait3A_66 = arith.constant 0 : i32
      %dma_wait3A_67 = tpu.memref_slice %arg6[%add3A_55, %dma_wait3A_66] : memref<200x100xi32, #tpu.memory_space<vmem>> -> memref<1x100xi32, #tpu.memory_space<vmem>>
      %dma_wait3A_68 = tpu.memref_squeeze %dma_wait3A_67 : memref<1x100xi32, #tpu.memory_space<vmem>> -> memref<100xi32, #tpu.memory_space<vmem>>
      %dma_wait3A_69 = arith.constant 0 : i32
      %dma_wait3A_70 = arith.constant 0 : i32
      %dma_wait3A_71 = tpu.memref_slice %arg2[%dma_wait3A_69, %dma_wait3A_70] : memref<20000x64xf32, #tpu.memory_space<hbm>> -> memref<20000x64xf32, #tpu.memory_space<hbm>>
      tpu.wait_indirect_dma semaphore(%arg11 : memref<!tpu.dma_semaphore, #tpu.memory_space<semaphore_mem>>) src(%dma_wait3A_71 : memref<20000x64xf32, #tpu.memory_space<hbm>>) dst(%arg9 : memref<100x64xf32, #tpu.memory_space<vmem>>)
      "tpu.region"() ({
        %run_scoped3A_86 = tpu.sem_alloc : memref<!tpu.dma_semaphore, #tpu.memory_space<semaphore_mem>>
        %dma_start3A_87 = arith.constant 0 : i32
        %dma_start3A_88 = tpu.memref_slice %arg7[%add3A_55, %dma_start3A_87] : memref<200x100xi32, #tpu.memory_space<vmem>> -> memref<1x100xi32, #tpu.memory_space<vmem>>
        %dma_start3A_89 = tpu.memref_squeeze %dma_start3A_88 : memref<1x100xi32, #tpu.memory_space<vmem>> -> memref<100xi32, #tpu.memory_space<vmem>>
        %dma_start3A_90 = arith.constant 0 : i32
        %dma_start3A_91 = arith.constant 0 : i32
        %dma_start3A_92 = tpu.memref_slice %arg13[%dma_start3A_90, %dma_start3A_91] : memref<10008x64xf32, #tpu.memory_space<vmem_shared>> -> memref<10008x64xf32, #tpu.memory_space<vmem_shared>>
        tpu.enqueue_indirect_dma source(%arg9 : memref<100x64xf32, #tpu.memory_space<vmem>>) target(%dma_start3A_92 : memref<10008x64xf32, #tpu.memory_space<vmem_shared>>) offsets(%dma_start3A_89 : memref<100xi32, #tpu.memory_space<vmem>>) semaphore(%run_scoped3A_86 : memref<!tpu.dma_semaphore, #tpu.memory_space<semaphore_mem>>) {add = true}
        %dma_wait3A_93 = arith.constant 0 : i32
        %dma_wait3A_94 = tpu.memref_slice %arg7[%add3A_55, %dma_wait3A_93] : memref<200x100xi32, #tpu.memory_space<vmem>> -> memref<1x100xi32, #tpu.memory_space<vmem>>
        %dma_wait3A_95 = tpu.memref_squeeze %dma_wait3A_94 : memref<1x100xi32, #tpu.memory_space<vmem>> -> memref<100xi32, #tpu.memory_space<vmem>>
        %dma_wait3A_96 = arith.constant 0 : i32
        %dma_wait3A_97 = arith.constant 0 : i32
        %dma_wait3A_98 = tpu.memref_slice %arg13[%dma_wait3A_96, %dma_wait3A_97] : memref<10008x64xf32, #tpu.memory_space<vmem_shared>> -> memref<10008x64xf32, #tpu.memory_space<vmem_shared>>
        tpu.wait_indirect_dma semaphore(%run_scoped3A_86 : memref<!tpu.dma_semaphore, #tpu.memory_space<semaphore_mem>>) src(%arg9 : memref<100x64xf32, #tpu.memory_space<vmem>>) dst(%dma_wait3A_98 : memref<10008x64xf32, #tpu.memory_space<vmem_shared>>)
        tpu.yield
      }) : () -> ()
      %add3A_72 = arith.constant 1 : i32
      %add3A_73 = arith.addi %add3A_59, %add3A_72 : i32
      %dma_start3A_74 = arith.constant 0 : i32
      %dma_start3A_75 = tpu.memref_slice %arg6[%add3A_73, %dma_start3A_74] : memref<200x100xi32, #tpu.memory_space<vmem>> -> memref<1x100xi32, #tpu.memory_space<vmem>>
      %dma_start3A_76 = tpu.memref_squeeze %dma_start3A_75 : memref<1x100xi32, #tpu.memory_space<vmem>> -> memref<100xi32, #tpu.memory_space<vmem>>
      %dma_start3A_77 = arith.constant 0 : i32
      %dma_start3A_78 = arith.constant 0 : i32
      %dma_start3A_79 = tpu.memref_slice %arg2[%dma_start3A_77, %dma_start3A_78] : memref<20000x64xf32, #tpu.memory_space<hbm>> -> memref<20000x64xf32, #tpu.memory_space<hbm>>
      tpu.enqueue_indirect_dma source(%dma_start3A_79 : memref<20000x64xf32, #tpu.memory_space<hbm>>) target(%arg9 : memref<100x64xf32, #tpu.memory_space<vmem>>) offsets(%dma_start3A_76 : memref<100xi32, #tpu.memory_space<vmem>>) semaphore(%arg11 : memref<!tpu.dma_semaphore, #tpu.memory_space<semaphore_mem>>)
      %dma_wait3A_80 = arith.constant 0 : i32
      %dma_wait3A_81 = tpu.memref_slice %arg6[%add3A_59, %dma_wait3A_80] : memref<200x100xi32, #tpu.memory_space<vmem>> -> memref<1x100xi32, #tpu.memory_space<vmem>>
      %dma_wait3A_82 = tpu.memref_squeeze %dma_wait3A_81 : memref<1x100xi32, #tpu.memory_space<vmem>> -> memref<100xi32, #tpu.memory_space<vmem>>
      %dma_wait3A_83 = arith.constant 0 : i32
      %dma_wait3A_84 = arith.constant 0 : i32
      %dma_wait3A_85 = tpu.memref_slice %arg2[%dma_wait3A_83, %dma_wait3A_84] : memref<20000x64xf32, #tpu.memory_space<hbm>> -> memref<20000x64xf32, #tpu.memory_space<hbm>>
      tpu.wait_indirect_dma semaphore(%arg10 : memref<!tpu.dma_semaphore, #tpu.memory_space<semaphore_mem>>) src(%dma_wait3A_85 : memref<20000x64xf32, #tpu.memory_space<hbm>>) dst(%arg8 : memref<100x64xf32, #tpu.memory_space<vmem>>)
      "tpu.region"() ({
        %run_scoped3A_86 = tpu.sem_alloc : memref<!tpu.dma_semaphore, #tpu.memory_space<semaphore_mem>>
        %dma_start3A_87 = arith.constant 0 : i32
        %dma_start3A_88 = tpu.memref_slice %arg7[%add3A_59, %dma_start3A_87] : memref<200x100xi32, #tpu.memory_space<vmem>> -> memref<1x100xi32, #tpu.memory_space<vmem>>
        %dma_start3A_89 = tpu.memref_squeeze %dma_start3A_88 : memref<1x100xi32, #tpu.memory_space<vmem>> -> memref<100xi32, #tpu.memory_space<vmem>>
        %dma_start3A_90 = arith.constant 0 : i32
        %dma_start3A_91 = arith.constant 0 : i32
        %dma_start3A_92 = tpu.memref_slice %arg13[%dma_start3A_90, %dma_start3A_91] : memref<10008x64xf32, #tpu.memory_space<vmem_shared>> -> memref<10008x64xf32, #tpu.memory_space<vmem_shared>>
        tpu.enqueue_indirect_dma source(%arg8 : memref<100x64xf32, #tpu.memory_space<vmem>>) target(%dma_start3A_92 : memref<10008x64xf32, #tpu.memory_space<vmem_shared>>) offsets(%dma_start3A_89 : memref<100xi32, #tpu.memory_space<vmem>>) semaphore(%run_scoped3A_86 : memref<!tpu.dma_semaphore, #tpu.memory_space<semaphore_mem>>) {add = true}
        %dma_wait3A_93 = arith.constant 0 : i32
        %dma_wait3A_94 = tpu.memref_slice %arg7[%add3A_59, %dma_wait3A_93] : memref<200x100xi32, #tpu.memory_space<vmem>> -> memref<1x100xi32, #tpu.memory_space<vmem>>
        %dma_wait3A_95 = tpu.memref_squeeze %dma_wait3A_94 : memref<1x100xi32, #tpu.memory_space<vmem>> -> memref<100xi32, #tpu.memory_space<vmem>>
        %dma_wait3A_96 = arith.constant 0 : i32
        %dma_wait3A_97 = arith.constant 0 : i32
        %dma_wait3A_98 = tpu.memref_slice %arg13[%dma_wait3A_96, %dma_wait3A_97] : memref<10008x64xf32, #tpu.memory_space<vmem_shared>> -> memref<10008x64xf32, #tpu.memory_space<vmem_shared>>
        tpu.wait_indirect_dma semaphore(%run_scoped3A_86 : memref<!tpu.dma_semaphore, #tpu.memory_space<semaphore_mem>>) src(%arg8 : memref<100x64xf32, #tpu.memory_space<vmem>>) dst(%dma_wait3A_98 : memref<10008x64xf32, #tpu.memory_space<vmem_shared>>)
        tpu.yield
      }) : () -> ()
    }
    %scan3A_32 = arith.constant 99 : i32
    %dma_wait3A_33 = arith.constant 199 : i32
    %dma_wait3A_34 = arith.constant 0 : i32
    %dma_wait3A_35 = tpu.memref_slice %arg6[%dma_wait3A_33, %dma_wait3A_34] : memref<200x100xi32, #tpu.memory_space<vmem>> -> memref<1x100xi32, #tpu.memory_space<vmem>>
    %dma_wait3A_36 = tpu.memref_squeeze %dma_wait3A_35 : memref<1x100xi32, #tpu.memory_space<vmem>> -> memref<100xi32, #tpu.memory_space<vmem>>
    %dma_wait3A_37 = arith.constant 0 : i32
    %dma_wait3A_38 = arith.constant 0 : i32
    %dma_wait3A_39 = tpu.memref_slice %arg2[%dma_wait3A_37, %dma_wait3A_38] : memref<20000x64xf32, #tpu.memory_space<hbm>> -> memref<20000x64xf32, #tpu.memory_space<hbm>>
    tpu.wait_indirect_dma semaphore(%arg11 : memref<!tpu.dma_semaphore, #tpu.memory_space<semaphore_mem>>) src(%dma_wait3A_39 : memref<20000x64xf32, #tpu.memory_space<hbm>>) dst(%arg9 : memref<100x64xf32, #tpu.memory_space<vmem>>)
    %run_scoped3A_40 = arith.constant 199 : i32
    "tpu.region"() ({
      %run_scoped3A_52 = tpu.sem_alloc : memref<!tpu.dma_semaphore, #tpu.memory_space<semaphore_mem>>
      %dma_start3A_53 = arith.constant 0 : i32
      %dma_start3A_54 = tpu.memref_slice %arg7[%run_scoped3A_40, %dma_start3A_53] : memref<200x100xi32, #tpu.memory_space<vmem>> -> memref<1x100xi32, #tpu.memory_space<vmem>>
      %dma_start3A_55 = tpu.memref_squeeze %dma_start3A_54 : memref<1x100xi32, #tpu.memory_space<vmem>> -> memref<100xi32, #tpu.memory_space<vmem>>
      %dma_start3A_56 = arith.constant 0 : i32
      %dma_start3A_57 = arith.constant 0 : i32
      %dma_start3A_58 = tpu.memref_slice %arg13[%dma_start3A_56, %dma_start3A_57] : memref<10008x64xf32, #tpu.memory_space<vmem_shared>> -> memref<10008x64xf32, #tpu.memory_space<vmem_shared>>
      tpu.enqueue_indirect_dma source(%arg9 : memref<100x64xf32, #tpu.memory_space<vmem>>) target(%dma_start3A_58 : memref<10008x64xf32, #tpu.memory_space<vmem_shared>>) offsets(%dma_start3A_55 : memref<100xi32, #tpu.memory_space<vmem>>) semaphore(%run_scoped3A_52 : memref<!tpu.dma_semaphore, #tpu.memory_space<semaphore_mem>>) {add = true}
      %dma_wait3A_59 = arith.constant 0 : i32
      %dma_wait3A_60 = tpu.memref_slice %arg7[%run_scoped3A_40, %dma_wait3A_59] : memref<200x100xi32, #tpu.memory_space<vmem>> -> memref<1x100xi32, #tpu.memory_space<vmem>>
      %dma_wait3A_61 = tpu.memref_squeeze %dma_wait3A_60 : memref<1x100xi32, #tpu.memory_space<vmem>> -> memref<100xi32, #tpu.memory_space<vmem>>
      %dma_wait3A_62 = arith.constant 0 : i32
      %dma_wait3A_63 = arith.constant 0 : i32
      %dma_wait3A_64 = tpu.memref_slice %arg13[%dma_wait3A_62, %dma_wait3A_63] : memref<10008x64xf32, #tpu.memory_space<vmem_shared>> -> memref<10008x64xf32, #tpu.memory_space<vmem_shared>>
      tpu.wait_indirect_dma semaphore(%run_scoped3A_52 : memref<!tpu.dma_semaphore, #tpu.memory_space<semaphore_mem>>) src(%arg9 : memref<100x64xf32, #tpu.memory_space<vmem>>) dst(%dma_wait3A_64 : memref<10008x64xf32, #tpu.memory_space<vmem_shared>>)
      tpu.yield
    }) : () -> ()
    %barrier3A_41 = arith.constant 0 : index
    tpu.barrier barrier_id(%barrier3A_41)
    %lt3A_42 = arith.constant 15 : i32
    %lt3A_43 = arith.cmpi slt, %arg1, %lt3A_42 : i32
    %convert_element_type3A_44 = arith.extui %lt3A_43 : i1 to i32
    %cond3A_45 = arith.constant 0 : i32
    %cond3A_46 = arith.cmpi ne, %convert_element_type3A_44, %cond3A_45 : i32
    scf.if %cond3A_46 {
      %add3A = arith.addi %mul3A_0, %mul3A_2 : i32
      "tpu.region"() ({
        %run_scoped3A_52 = tpu.sem_alloc : memref<!tpu.dma_semaphore, #tpu.memory_space<semaphore_mem>>
        %dma_start3A_53 = arith.constant 0 : i32
        %dma_start3A_54 = tpu.memref_slice %arg5[%add3A, %dma_start3A_53] : memref<20000x64xf32, #tpu.memory_space<hbm>> -> memref<632x64xf32, #tpu.memory_space<hbm>>
        %dma_start3A_55 = arith.constant 0 : i32
        %dma_start3A_56 = tpu.memref_slice %arg13[%mul3A_2, %dma_start3A_55] : memref<10008x64xf32, #tpu.memory_space<vmem_shared>> -> memref<632x64xf32, #tpu.memory_space<vmem_shared>>
        tpu.enqueue_dma source(%dma_start3A_56 : memref<632x64xf32, #tpu.memory_space<vmem_shared>>) target(%dma_start3A_54 : memref<632x64xf32, #tpu.memory_space<hbm>>) target_semaphore(%run_scoped3A_52 : memref<!tpu.dma_semaphore, #tpu.memory_space<semaphore_mem>>)
        %dma_wait3A_57 = arith.constant 0 : i32
        %dma_wait3A_58 = tpu.memref_slice %arg5[%add3A, %dma_wait3A_57] : memref<20000x64xf32, #tpu.memory_space<hbm>> -> memref<632x64xf32, #tpu.memory_space<hbm>>
        %dma_wait3A_59 = arith.constant 0 : i32
        %dma_wait3A_60 = tpu.memref_slice %arg13[%mul3A_2, %dma_wait3A_59] : memref<10008x64xf32, #tpu.memory_space<vmem_shared>> -> memref<632x64xf32, #tpu.memory_space<vmem_shared>>
        tpu.wait_dma2 semaphore(%run_scoped3A_52 : memref<!tpu.dma_semaphore, #tpu.memory_space<semaphore_mem>>) src(%dma_wait3A_60 : memref<632x64xf32, #tpu.memory_space<vmem_shared>>) dst(%dma_wait3A_58 : memref<632x64xf32, #tpu.memory_space<hbm>>)
        tpu.yield
      }) : () -> ()
    } else {
    }
    %eq3A_47 = arith.constant 15 : i32
    %eq3A_48 = arith.cmpi eq, %arg1, %eq3A_47 : i32
    %convert_element_type3A_49 = arith.extui %eq3A_48 : i1 to i32
    %cond3A_50 = arith.constant 0 : i32
    %cond3A_51 = arith.cmpi ne, %convert_element_type3A_49, %cond3A_50 : i32
    scf.if %cond3A_51 {
      %add3A = arith.addi %mul3A_0, %mul3A_2 : i32
      "tpu.region"() ({
        %run_scoped3A_52 = tpu.sem_alloc : memref<!tpu.dma_semaphore, #tpu.memory_space<semaphore_mem>>
        %dma_start3A_53 = arith.constant 0 : i32
        %dma_start3A_54 = tpu.memref_slice %arg5[%add3A, %dma_start3A_53] : memref<20000x64xf32, #tpu.memory_space<hbm>> -> memref<520x64xf32, #tpu.memory_space<hbm>>
        %dma_start3A_55 = arith.constant 0 : i32
        %dma_start3A_56 = tpu.memref_slice %arg13[%mul3A_2, %dma_start3A_55] : memref<10008x64xf32, #tpu.memory_space<vmem_shared>> -> memref<520x64xf32, #tpu.memory_space<vmem_shared>>
        tpu.enqueue_dma source(%dma_start3A_56 : memref<520x64xf32, #tpu.memory_space<vmem_shared>>) target(%dma_start3A_54 : memref<520x64xf32, #tpu.memory_space<hbm>>) target_semaphore(%run_scoped3A_52 : memref<!tpu.dma_semaphore, #tpu.memory_space<semaphore_mem>>)
        %dma_wait3A_57 = arith.constant 0 : i32
        %dma_wait3A_58 = tpu.memref_slice %arg5[%add3A, %dma_wait3A_57] : memref<20000x64xf32, #tpu.memory_space<hbm>> -> memref<520x64xf32, #tpu.memory_space<hbm>>
        %dma_wait3A_59 = arith.constant 0 : i32
        %dma_wait3A_60 = tpu.memref_slice %arg13[%mul3A_2, %dma_wait3A_59] : memref<10008x64xf32, #tpu.memory_space<vmem_shared>> -> memref<520x64xf32, #tpu.memory_space<vmem_shared>>
        tpu.wait_dma2 semaphore(%run_scoped3A_52 : memref<!tpu.dma_semaphore, #tpu.memory_space<semaphore_mem>>) src(%dma_wait3A_60 : memref<520x64xf32, #tpu.memory_space<vmem_shared>>) dst(%dma_wait3A_58 : memref<520x64xf32, #tpu.memory_space<hbm>>)
        tpu.yield
      }) : () -> ()
    } else {
    }
    return
  }
}

#map = affine_map<(d0, d1) -> (0, 0)>
#map1 = affine_map<(d0, d1) -> (0, 0, 0, 0)>
module attributes {stable_mosaic.version = 14 : i64} {
  func.func @_sc_scatter_body(%arg0: i32, %arg1: i32, %arg2: memref<20000x64xf32, #tpu.memory_space<hbm>>, %arg3: memref<2x16x200x100xi32, #tpu.memory_space<hbm>>, %arg4: memref<2x16x200x100xi32, #tpu.memory_space<hbm>>, %arg5: memref<20000x64xf32, #tpu.memory_space<hbm>>, %arg6: memref<200x100xi32, #tpu.memory_space<vmem>>, %arg7: memref<200x100xi32, #tpu.memory_space<vmem>>, %arg8: memref<100x64xf32, #tpu.memory_space<vmem>>, %arg9: memref<100x64xf32, #tpu.memory_space<vmem>>, %arg10: memref<!tpu.dma_semaphore, #tpu.memory_space<semaphore_mem>>, %arg11: memref<!tpu.dma_semaphore, #tpu.memory_space<semaphore_mem>>, %arg12: memref<!tpu.dma_semaphore, #tpu.memory_space<semaphore_mem>>, %arg13: memref<10008x64xf32, #tpu.memory_space<vmem_shared>>) attributes {dimension_semantics = [#tpu.dimension_semantics<core_parallel>, #tpu.dimension_semantics<subcore_parallel>], iteration_bounds = array<i64: 2, 16>, scalar_prefetch = 0 : i64, scratch_operands = 8 : i64, tpu.core_type = #tpu.core_type<sc_vector_subcore>, window_params = [{transform_indices = #map}, {transform_indices = #map1}, {transform_indices = #map1}, {transform_indices = #map}]} {
    %mul3A = arith.constant 10000 : i32
    %mul3A_0 = arith.muli %arg0, %mul3A : i32
    %mul3A_1 = arith.constant 632 : i32
    %mul3A_2 = arith.muli %arg1, %mul3A_1 : i32
    %lt3A = arith.constant 15 : i32
    %lt3A_3 = arith.cmpi slt, %arg1, %lt3A : i32
    %convert_element_type3A = arith.extui %lt3A_3 : i1 to i32
    %cond3A = arith.constant 0 : i32
    %cond3A_4 = arith.cmpi ne, %convert_element_type3A, %cond3A : i32
    scf.if %cond3A_4 {
      %add3A = arith.addi %mul3A_0, %mul3A_2 : i32
      "tpu.region"() ({
        %run_scoped3A_52 = tpu.sem_alloc : memref<!tpu.dma_semaphore, #tpu.memory_space<semaphore_mem>>
        %dma_start3A_53 = arith.constant 0 : i32
        %dma_start3A_54 = tpu.memref_slice %arg13[%mul3A_2, %dma_start3A_53] : memref<10008x64xf32, #tpu.memory_space<vmem_shared>> -> memref<632x64xf32, #tpu.memory_space<vmem_shared>>
        %dma_start3A_55 = arith.constant 0 : i32
        %dma_start3A_56 = tpu.memref_slice %arg2[%add3A, %dma_start3A_55] : memref<20000x64xf32, #tpu.memory_space<hbm>> -> memref<632x64xf32, #tpu.memory_space<hbm>>
        tpu.enqueue_dma source(%dma_start3A_56 : memref<632x64xf32, #tpu.memory_space<hbm>>) target(%dma_start3A_54 : memref<632x64xf32, #tpu.memory_space<vmem_shared>>) target_semaphore(%run_scoped3A_52 : memref<!tpu.dma_semaphore, #tpu.memory_space<semaphore_mem>>)
        %dma_wait3A_57 = arith.constant 0 : i32
        %dma_wait3A_58 = tpu.memref_slice %arg13[%mul3A_2, %dma_wait3A_57] : memref<10008x64xf32, #tpu.memory_space<vmem_shared>> -> memref<632x64xf32, #tpu.memory_space<vmem_shared>>
        %dma_wait3A_59 = arith.constant 0 : i32
        %dma_wait3A_60 = tpu.memref_slice %arg2[%add3A, %dma_wait3A_59] : memref<20000x64xf32, #tpu.memory_space<hbm>> -> memref<632x64xf32, #tpu.memory_space<hbm>>
        tpu.wait_dma2 semaphore(%run_scoped3A_52 : memref<!tpu.dma_semaphore, #tpu.memory_space<semaphore_mem>>) src(%dma_wait3A_60 : memref<632x64xf32, #tpu.memory_space<hbm>>) dst(%dma_wait3A_58 : memref<632x64xf32, #tpu.memory_space<vmem_shared>>)
        tpu.yield
      }) : () -> ()
    } else {
    }
    %eq3A = arith.constant 15 : i32
    %eq3A_5 = arith.cmpi eq, %arg1, %eq3A : i32
    %convert_element_type3A_6 = arith.extui %eq3A_5 : i1 to i32
    %cond3A_7 = arith.constant 0 : i32
    %cond3A_8 = arith.cmpi ne, %convert_element_type3A_6, %cond3A_7 : i32
    scf.if %cond3A_8 {
      %add3A = arith.addi %mul3A_0, %mul3A_2 : i32
      "tpu.region"() ({
        %run_scoped3A_52 = tpu.sem_alloc : memref<!tpu.dma_semaphore, #tpu.memory_space<semaphore_mem>>
        %dma_start3A_53 = arith.constant 0 : i32
        %dma_start3A_54 = tpu.memref_slice %arg13[%mul3A_2, %dma_start3A_53] : memref<10008x64xf32, #tpu.memory_space<vmem_shared>> -> memref<520x64xf32, #tpu.memory_space<vmem_shared>>
        %dma_start3A_55 = arith.constant 0 : i32
        %dma_start3A_56 = tpu.memref_slice %arg2[%add3A, %dma_start3A_55] : memref<20000x64xf32, #tpu.memory_space<hbm>> -> memref<520x64xf32, #tpu.memory_space<hbm>>
        tpu.enqueue_dma source(%dma_start3A_56 : memref<520x64xf32, #tpu.memory_space<hbm>>) target(%dma_start3A_54 : memref<520x64xf32, #tpu.memory_space<vmem_shared>>) target_semaphore(%run_scoped3A_52 : memref<!tpu.dma_semaphore, #tpu.memory_space<semaphore_mem>>)
        %dma_wait3A_57 = arith.constant 0 : i32
        %dma_wait3A_58 = tpu.memref_slice %arg13[%mul3A_2, %dma_wait3A_57] : memref<10008x64xf32, #tpu.memory_space<vmem_shared>> -> memref<520x64xf32, #tpu.memory_space<vmem_shared>>
        %dma_wait3A_59 = arith.constant 0 : i32
        %dma_wait3A_60 = tpu.memref_slice %arg2[%add3A, %dma_wait3A_59] : memref<20000x64xf32, #tpu.memory_space<hbm>> -> memref<520x64xf32, #tpu.memory_space<hbm>>
        tpu.wait_dma2 semaphore(%run_scoped3A_52 : memref<!tpu.dma_semaphore, #tpu.memory_space<semaphore_mem>>) src(%dma_wait3A_60 : memref<520x64xf32, #tpu.memory_space<hbm>>) dst(%dma_wait3A_58 : memref<520x64xf32, #tpu.memory_space<vmem_shared>>)
        tpu.yield
      }) : () -> ()
    } else {
    }
    %barrier3A = arith.constant 0 : index
    tpu.barrier barrier_id(%barrier3A)
    "tpu.region"() ({
      %run_scoped3A_52 = tpu.sem_alloc : memref<!tpu.dma_semaphore, #tpu.memory_space<semaphore_mem>>
      %dma_start3A_53 = arith.constant 0 : i32
      %dma_start3A_54 = arith.constant 0 : i32
      %dma_start3A_55 = tpu.memref_slice %arg3[%arg0, %arg1, %dma_start3A_53, %dma_start3A_54] : memref<2x16x200x100xi32, #tpu.memory_space<hbm>> -> memref<1x1x200x100xi32, #tpu.memory_space<hbm>>
      %dma_start3A_56 = tpu.memref_squeeze %dma_start3A_55 : memref<1x1x200x100xi32, #tpu.memory_space<hbm>> -> memref<200x100xi32, #tpu.memory_space<hbm>>
      %dma_start3A_57 = arith.constant 0 : i32
      %dma_start3A_58 = arith.constant 0 : i32
      %dma_start3A_59 = tpu.memref_slice %arg3[%arg0, %arg1, %dma_start3A_57, %dma_start3A_58] : memref<2x16x200x100xi32, #tpu.memory_space<hbm>> -> memref<1x1x200x100xi32, #tpu.memory_space<hbm>>
      %dma_start3A_60 = tpu.memref_squeeze %dma_start3A_59 : memref<1x1x200x100xi32, #tpu.memory_space<hbm>> -> memref<200x100xi32, #tpu.memory_space<hbm>>
      tpu.enqueue_dma source(%dma_start3A_60 : memref<200x100xi32, #tpu.memory_space<hbm>>) target(%arg6 : memref<200x100xi32, #tpu.memory_space<vmem>>) target_semaphore(%run_scoped3A_52 : memref<!tpu.dma_semaphore, #tpu.memory_space<semaphore_mem>>)
      %dma_wait3A_61 = arith.constant 0 : i32
      %dma_wait3A_62 = arith.constant 0 : i32
      %dma_wait3A_63 = tpu.memref_slice %arg3[%arg0, %arg1, %dma_wait3A_61, %dma_wait3A_62] : memref<2x16x200x100xi32, #tpu.memory_space<hbm>> -> memref<1x1x200x100xi32, #tpu.memory_space<hbm>>
      %dma_wait3A_64 = tpu.memref_squeeze %dma_wait3A_63 : memref<1x1x200x100xi32, #tpu.memory_space<hbm>> -> memref<200x100xi32, #tpu.memory_space<hbm>>
      %dma_wait3A_65 = arith.constant 0 : i32
      %dma_wait3A_66 = arith.constant 0 : i32
      %dma_wait3A_67 = tpu.memref_slice %arg3[%arg0, %arg1, %dma_wait3A_65, %dma_wait3A_66] : memref<2x16x200x100xi32, #tpu.memory_space<hbm>> -> memref<1x1x200x100xi32, #tpu.memory_space<hbm>>
      %dma_wait3A_68 = tpu.memref_squeeze %dma_wait3A_67 : memref<1x1x200x100xi32, #tpu.memory_space<hbm>> -> memref<200x100xi32, #tpu.memory_space<hbm>>
      tpu.wait_dma2 semaphore(%run_scoped3A_52 : memref<!tpu.dma_semaphore, #tpu.memory_space<semaphore_mem>>) src(%dma_wait3A_68 : memref<200x100xi32, #tpu.memory_space<hbm>>) dst(%arg6 : memref<200x100xi32, #tpu.memory_space<vmem>>)
      tpu.yield
    }) : () -> ()
    "tpu.region"() ({
      %run_scoped3A_52 = tpu.sem_alloc : memref<!tpu.dma_semaphore, #tpu.memory_space<semaphore_mem>>
      %dma_start3A_53 = arith.constant 0 : i32
      %dma_start3A_54 = arith.constant 0 : i32
      %dma_start3A_55 = tpu.memref_slice %arg4[%arg0, %arg1, %dma_start3A_53, %dma_start3A_54] : memref<2x16x200x100xi32, #tpu.memory_space<hbm>> -> memref<1x1x200x100xi32, #tpu.memory_space<hbm>>
      %dma_start3A_56 = tpu.memref_squeeze %dma_start3A_55 : memref<1x1x200x100xi32, #tpu.memory_space<hbm>> -> memref<200x100xi32, #tpu.memory_space<hbm>>
      %dma_start3A_57 = arith.constant 0 : i32
      %dma_start3A_58 = arith.constant 0 : i32
      %dma_start3A_59 = tpu.memref_slice %arg4[%arg0, %arg1, %dma_start3A_57, %dma_start3A_58] : memref<2x16x200x100xi32, #tpu.memory_space<hbm>> -> memref<1x1x200x100xi32, #tpu.memory_space<hbm>>
      %dma_start3A_60 = tpu.memref_squeeze %dma_start3A_59 : memref<1x1x200x100xi32, #tpu.memory_space<hbm>> -> memref<200x100xi32, #tpu.memory_space<hbm>>
      tpu.enqueue_dma source(%dma_start3A_60 : memref<200x100xi32, #tpu.memory_space<hbm>>) target(%arg7 : memref<200x100xi32, #tpu.memory_space<vmem>>) target_semaphore(%run_scoped3A_52 : memref<!tpu.dma_semaphore, #tpu.memory_space<semaphore_mem>>)
      %dma_wait3A_61 = arith.constant 0 : i32
      %dma_wait3A_62 = arith.constant 0 : i32
      %dma_wait3A_63 = tpu.memref_slice %arg4[%arg0, %arg1, %dma_wait3A_61, %dma_wait3A_62] : memref<2x16x200x100xi32, #tpu.memory_space<hbm>> -> memref<1x1x200x100xi32, #tpu.memory_space<hbm>>
      %dma_wait3A_64 = tpu.memref_squeeze %dma_wait3A_63 : memref<1x1x200x100xi32, #tpu.memory_space<hbm>> -> memref<200x100xi32, #tpu.memory_space<hbm>>
      %dma_wait3A_65 = arith.constant 0 : i32
      %dma_wait3A_66 = arith.constant 0 : i32
      %dma_wait3A_67 = tpu.memref_slice %arg4[%arg0, %arg1, %dma_wait3A_65, %dma_wait3A_66] : memref<2x16x200x100xi32, #tpu.memory_space<hbm>> -> memref<1x1x200x100xi32, #tpu.memory_space<hbm>>
      %dma_wait3A_68 = tpu.memref_squeeze %dma_wait3A_67 : memref<1x1x200x100xi32, #tpu.memory_space<hbm>> -> memref<200x100xi32, #tpu.memory_space<hbm>>
      tpu.wait_dma2 semaphore(%run_scoped3A_52 : memref<!tpu.dma_semaphore, #tpu.memory_space<semaphore_mem>>) src(%dma_wait3A_68 : memref<200x100xi32, #tpu.memory_space<hbm>>) dst(%arg7 : memref<200x100xi32, #tpu.memory_space<vmem>>)
      tpu.yield
    }) : () -> ()
    %dma_start3A = arith.constant 0 : i32
    %dma_start3A_9 = arith.constant 0 : i32
    %dma_start3A_10 = tpu.memref_slice %arg6[%dma_start3A, %dma_start3A_9] : memref<200x100xi32, #tpu.memory_space<vmem>> -> memref<1x100xi32, #tpu.memory_space<vmem>>
    %dma_start3A_11 = tpu.memref_squeeze %dma_start3A_10 : memref<1x100xi32, #tpu.memory_space<vmem>> -> memref<100xi32, #tpu.memory_space<vmem>>
    %dma_start3A_12 = arith.constant 0 : i32
    %dma_start3A_13 = arith.constant 0 : i32
    %dma_start3A_14 = tpu.memref_slice %arg2[%dma_start3A_12, %dma_start3A_13] : memref<20000x64xf32, #tpu.memory_space<hbm>> -> memref<20000x64xf32, #tpu.memory_space<hbm>>
    tpu.enqueue_indirect_dma source(%dma_start3A_14 : memref<20000x64xf32, #tpu.memory_space<hbm>>) target(%arg8 : memref<100x64xf32, #tpu.memory_space<vmem>>) offsets(%dma_start3A_11 : memref<100xi32, #tpu.memory_space<vmem>>) semaphore(%arg10 : memref<!tpu.dma_semaphore, #tpu.memory_space<semaphore_mem>>)
    %dma_wait3A = arith.constant 0 : i32
    %dma_wait3A_15 = arith.constant 0 : i32
    %dma_wait3A_16 = tpu.memref_slice %arg6[%dma_wait3A, %dma_wait3A_15] : memref<200x100xi32, #tpu.memory_space<vmem>> -> memref<1x100xi32, #tpu.memory_space<vmem>>
    %dma_wait3A_17 = tpu.memref_squeeze %dma_wait3A_16 : memref<1x100xi32, #tpu.memory_space<vmem>> -> memref<100xi32, #tpu.memory_space<vmem>>
    %dma_wait3A_18 = arith.constant 0 : i32
    %dma_wait3A_19 = arith.constant 0 : i32
    %dma_wait3A_20 = tpu.memref_slice %arg2[%dma_wait3A_18, %dma_wait3A_19] : memref<20000x64xf32, #tpu.memory_space<hbm>> -> memref<20000x64xf32, #tpu.memory_space<hbm>>
    tpu.wait_indirect_dma semaphore(%arg10 : memref<!tpu.dma_semaphore, #tpu.memory_space<semaphore_mem>>) src(%dma_wait3A_20 : memref<20000x64xf32, #tpu.memory_space<hbm>>) dst(%arg8 : memref<100x64xf32, #tpu.memory_space<vmem>>)
    %dma_start3A_21 = arith.constant 1 : i32
    %dma_start3A_22 = arith.constant 0 : i32
    %dma_start3A_23 = tpu.memref_slice %arg6[%dma_start3A_21, %dma_start3A_22] : memref<200x100xi32, #tpu.memory_space<vmem>> -> memref<1x100xi32, #tpu.memory_space<vmem>>
    %dma_start3A_24 = tpu.memref_squeeze %dma_start3A_23 : memref<1x100xi32, #tpu.memory_space<vmem>> -> memref<100xi32, #tpu.memory_space<vmem>>
    %dma_start3A_25 = arith.constant 0 : i32
    %dma_start3A_26 = arith.constant 0 : i32
    %dma_start3A_27 = tpu.memref_slice %arg2[%dma_start3A_25, %dma_start3A_26] : memref<20000x64xf32, #tpu.memory_space<hbm>> -> memref<20000x64xf32, #tpu.memory_space<hbm>>
    tpu.enqueue_indirect_dma source(%dma_start3A_27 : memref<20000x64xf32, #tpu.memory_space<hbm>>) target(%arg9 : memref<100x64xf32, #tpu.memory_space<vmem>>) offsets(%dma_start3A_24 : memref<100xi32, #tpu.memory_space<vmem>>) semaphore(%arg11 : memref<!tpu.dma_semaphore, #tpu.memory_space<semaphore_mem>>)
    %run_scoped3A = arith.constant 0 : i32
    "tpu.region"() ({
      %run_scoped3A_52 = tpu.sem_alloc : memref<!tpu.dma_semaphore, #tpu.memory_space<semaphore_mem>>
      %dma_start3A_53 = arith.constant 0 : i32
      %dma_start3A_54 = tpu.memref_slice %arg7[%run_scoped3A, %dma_start3A_53] : memref<200x100xi32, #tpu.memory_space<vmem>> -> memref<1x100xi32, #tpu.memory_space<vmem>>
      %dma_start3A_55 = tpu.memref_squeeze %dma_start3A_54 : memref<1x100xi32, #tpu.memory_space<vmem>> -> memref<100xi32, #tpu.memory_space<vmem>>
      %dma_start3A_56 = arith.constant 0 : i32
      %dma_start3A_57 = arith.constant 0 : i32
      %dma_start3A_58 = tpu.memref_slice %arg13[%dma_start3A_56, %dma_start3A_57] : memref<10008x64xf32, #tpu.memory_space<vmem_shared>> -> memref<10008x64xf32, #tpu.memory_space<vmem_shared>>
      tpu.enqueue_indirect_dma source(%arg8 : memref<100x64xf32, #tpu.memory_space<vmem>>) target(%dma_start3A_58 : memref<10008x64xf32, #tpu.memory_space<vmem_shared>>) offsets(%dma_start3A_55 : memref<100xi32, #tpu.memory_space<vmem>>) semaphore(%run_scoped3A_52 : memref<!tpu.dma_semaphore, #tpu.memory_space<semaphore_mem>>) {add = true}
      %dma_wait3A_59 = arith.constant 0 : i32
      %dma_wait3A_60 = tpu.memref_slice %arg7[%run_scoped3A, %dma_wait3A_59] : memref<200x100xi32, #tpu.memory_space<vmem>> -> memref<1x100xi32, #tpu.memory_space<vmem>>
      %dma_wait3A_61 = tpu.memref_squeeze %dma_wait3A_60 : memref<1x100xi32, #tpu.memory_space<vmem>> -> memref<100xi32, #tpu.memory_space<vmem>>
      %dma_wait3A_62 = arith.constant 0 : i32
      %dma_wait3A_63 = arith.constant 0 : i32
      %dma_wait3A_64 = tpu.memref_slice %arg13[%dma_wait3A_62, %dma_wait3A_63] : memref<10008x64xf32, #tpu.memory_space<vmem_shared>> -> memref<10008x64xf32, #tpu.memory_space<vmem_shared>>
      tpu.wait_indirect_dma semaphore(%run_scoped3A_52 : memref<!tpu.dma_semaphore, #tpu.memory_space<semaphore_mem>>) src(%arg8 : memref<100x64xf32, #tpu.memory_space<vmem>>) dst(%dma_wait3A_64 : memref<10008x64xf32, #tpu.memory_space<vmem_shared>>)
      tpu.yield
    }) : () -> ()
    %scan3A = arith.constant 0 : i32
    %scan3A_28 = arith.constant 0 : i32
    %scan3A_29 = arith.constant 99 : i32
    %scan3A_30 = arith.addi %scan3A_28, %scan3A_29 : i32
    %scan3A_31 = arith.constant 1 : i32
    scf.for %scan3A_52 = %scan3A_28 to %scan3A_30 step %scan3A_31  : i32 {
      %mul3A_53 = arith.constant 2 : i32
      %mul3A_54 = arith.muli %mul3A_53, %scan3A_52 : i32
      %add3A = arith.constant 1 : i32
      %add3A_55 = arith.addi %mul3A_54, %add3A : i32
      %mul3A_56 = arith.constant 2 : i32
      %mul3A_57 = arith.muli %mul3A_56, %scan3A_52 : i32
      %add3A_58 = arith.constant 2 : i32
      %add3A_59 = arith.addi %mul3A_57, %add3A_58 : i32
      %dma_start3A_60 = arith.constant 0 : i32
      %dma_start3A_61 = tpu.memref_slice %arg6[%add3A_59, %dma_start3A_60] : memref<200x100xi32, #tpu.memory_space<vmem>> -> memref<1x100xi32, #tpu.memory_space<vmem>>
      %dma_start3A_62 = tpu.memref_squeeze %dma_start3A_61 : memref<1x100xi32, #tpu.memory_space<vmem>> -> memref<100xi32, #tpu.memory_space<vmem>>
      %dma_start3A_63 = arith.constant 0 : i32
      %dma_start3A_64 = arith.constant 0 : i32
      %dma_start3A_65 = tpu.memref_slice %arg2[%dma_start3A_63, %dma_start3A_64] : memref<20000x64xf32, #tpu.memory_space<hbm>> -> memref<20000x64xf32, #tpu.memory_space<hbm>>
      tpu.enqueue_indirect_dma source(%dma_start3A_65 : memref<20000x64xf32, #tpu.memory_space<hbm>>) target(%arg8 : memref<100x64xf32, #tpu.memory_space<vmem>>) offsets(%dma_start3A_62 : memref<100xi32, #tpu.memory_space<vmem>>) semaphore(%arg10 : memref<!tpu.dma_semaphore, #tpu.memory_space<semaphore_mem>>)
      %dma_wait3A_66 = arith.constant 0 : i32
      %dma_wait3A_67 = tpu.memref_slice %arg6[%add3A_55, %dma_wait3A_66] : memref<200x100xi32, #tpu.memory_space<vmem>> -> memref<1x100xi32, #tpu.memory_space<vmem>>
      %dma_wait3A_68 = tpu.memref_squeeze %dma_wait3A_67 : memref<1x100xi32, #tpu.memory_space<vmem>> -> memref<100xi32, #tpu.memory_space<vmem>>
      %dma_wait3A_69 = arith.constant 0 : i32
      %dma_wait3A_70 = arith.constant 0 : i32
      %dma_wait3A_71 = tpu.memref_slice %arg2[%dma_wait3A_69, %dma_wait3A_70] : memref<20000x64xf32, #tpu.memory_space<hbm>> -> memref<20000x64xf32, #tpu.memory_space<hbm>>
      tpu.wait_indirect_dma semaphore(%arg11 : memref<!tpu.dma_semaphore, #tpu.memory_space<semaphore_mem>>) src(%dma_wait3A_71 : memref<20000x64xf32, #tpu.memory_space<hbm>>) dst(%arg9 : memref<100x64xf32, #tpu.memory_space<vmem>>)
      "tpu.region"() ({
        %run_scoped3A_86 = tpu.sem_alloc : memref<!tpu.dma_semaphore, #tpu.memory_space<semaphore_mem>>
        %dma_start3A_87 = arith.constant 0 : i32
        %dma_start3A_88 = tpu.memref_slice %arg7[%add3A_55, %dma_start3A_87] : memref<200x100xi32, #tpu.memory_space<vmem>> -> memref<1x100xi32, #tpu.memory_space<vmem>>
        %dma_start3A_89 = tpu.memref_squeeze %dma_start3A_88 : memref<1x100xi32, #tpu.memory_space<vmem>> -> memref<100xi32, #tpu.memory_space<vmem>>
        %dma_start3A_90 = arith.constant 0 : i32
        %dma_start3A_91 = arith.constant 0 : i32
        %dma_start3A_92 = tpu.memref_slice %arg13[%dma_start3A_90, %dma_start3A_91] : memref<10008x64xf32, #tpu.memory_space<vmem_shared>> -> memref<10008x64xf32, #tpu.memory_space<vmem_shared>>
        tpu.enqueue_indirect_dma source(%arg9 : memref<100x64xf32, #tpu.memory_space<vmem>>) target(%dma_start3A_92 : memref<10008x64xf32, #tpu.memory_space<vmem_shared>>) offsets(%dma_start3A_89 : memref<100xi32, #tpu.memory_space<vmem>>) semaphore(%run_scoped3A_86 : memref<!tpu.dma_semaphore, #tpu.memory_space<semaphore_mem>>) {add = true}
        %dma_wait3A_93 = arith.constant 0 : i32
        %dma_wait3A_94 = tpu.memref_slice %arg7[%add3A_55, %dma_wait3A_93] : memref<200x100xi32, #tpu.memory_space<vmem>> -> memref<1x100xi32, #tpu.memory_space<vmem>>
        %dma_wait3A_95 = tpu.memref_squeeze %dma_wait3A_94 : memref<1x100xi32, #tpu.memory_space<vmem>> -> memref<100xi32, #tpu.memory_space<vmem>>
        %dma_wait3A_96 = arith.constant 0 : i32
        %dma_wait3A_97 = arith.constant 0 : i32
        %dma_wait3A_98 = tpu.memref_slice %arg13[%dma_wait3A_96, %dma_wait3A_97] : memref<10008x64xf32, #tpu.memory_space<vmem_shared>> -> memref<10008x64xf32, #tpu.memory_space<vmem_shared>>
        tpu.wait_indirect_dma semaphore(%run_scoped3A_86 : memref<!tpu.dma_semaphore, #tpu.memory_space<semaphore_mem>>) src(%arg9 : memref<100x64xf32, #tpu.memory_space<vmem>>) dst(%dma_wait3A_98 : memref<10008x64xf32, #tpu.memory_space<vmem_shared>>)
        tpu.yield
      }) : () -> ()
      %add3A_72 = arith.constant 1 : i32
      %add3A_73 = arith.addi %add3A_59, %add3A_72 : i32
      %dma_start3A_74 = arith.constant 0 : i32
      %dma_start3A_75 = tpu.memref_slice %arg6[%add3A_73, %dma_start3A_74] : memref<200x100xi32, #tpu.memory_space<vmem>> -> memref<1x100xi32, #tpu.memory_space<vmem>>
      %dma_start3A_76 = tpu.memref_squeeze %dma_start3A_75 : memref<1x100xi32, #tpu.memory_space<vmem>> -> memref<100xi32, #tpu.memory_space<vmem>>
      %dma_start3A_77 = arith.constant 0 : i32
      %dma_start3A_78 = arith.constant 0 : i32
      %dma_start3A_79 = tpu.memref_slice %arg2[%dma_start3A_77, %dma_start3A_78] : memref<20000x64xf32, #tpu.memory_space<hbm>> -> memref<20000x64xf32, #tpu.memory_space<hbm>>
      tpu.enqueue_indirect_dma source(%dma_start3A_79 : memref<20000x64xf32, #tpu.memory_space<hbm>>) target(%arg9 : memref<100x64xf32, #tpu.memory_space<vmem>>) offsets(%dma_start3A_76 : memref<100xi32, #tpu.memory_space<vmem>>) semaphore(%arg11 : memref<!tpu.dma_semaphore, #tpu.memory_space<semaphore_mem>>)
      %dma_wait3A_80 = arith.constant 0 : i32
      %dma_wait3A_81 = tpu.memref_slice %arg6[%add3A_59, %dma_wait3A_80] : memref<200x100xi32, #tpu.memory_space<vmem>> -> memref<1x100xi32, #tpu.memory_space<vmem>>
      %dma_wait3A_82 = tpu.memref_squeeze %dma_wait3A_81 : memref<1x100xi32, #tpu.memory_space<vmem>> -> memref<100xi32, #tpu.memory_space<vmem>>
      %dma_wait3A_83 = arith.constant 0 : i32
      %dma_wait3A_84 = arith.constant 0 : i32
      %dma_wait3A_85 = tpu.memref_slice %arg2[%dma_wait3A_83, %dma_wait3A_84] : memref<20000x64xf32, #tpu.memory_space<hbm>> -> memref<20000x64xf32, #tpu.memory_space<hbm>>
      tpu.wait_indirect_dma semaphore(%arg10 : memref<!tpu.dma_semaphore, #tpu.memory_space<semaphore_mem>>) src(%dma_wait3A_85 : memref<20000x64xf32, #tpu.memory_space<hbm>>) dst(%arg8 : memref<100x64xf32, #tpu.memory_space<vmem>>)
      "tpu.region"() ({
        %run_scoped3A_86 = tpu.sem_alloc : memref<!tpu.dma_semaphore, #tpu.memory_space<semaphore_mem>>
        %dma_start3A_87 = arith.constant 0 : i32
        %dma_start3A_88 = tpu.memref_slice %arg7[%add3A_59, %dma_start3A_87] : memref<200x100xi32, #tpu.memory_space<vmem>> -> memref<1x100xi32, #tpu.memory_space<vmem>>
        %dma_start3A_89 = tpu.memref_squeeze %dma_start3A_88 : memref<1x100xi32, #tpu.memory_space<vmem>> -> memref<100xi32, #tpu.memory_space<vmem>>
        %dma_start3A_90 = arith.constant 0 : i32
        %dma_start3A_91 = arith.constant 0 : i32
        %dma_start3A_92 = tpu.memref_slice %arg13[%dma_start3A_90, %dma_start3A_91] : memref<10008x64xf32, #tpu.memory_space<vmem_shared>> -> memref<10008x64xf32, #tpu.memory_space<vmem_shared>>
        tpu.enqueue_indirect_dma source(%arg8 : memref<100x64xf32, #tpu.memory_space<vmem>>) target(%dma_start3A_92 : memref<10008x64xf32, #tpu.memory_space<vmem_shared>>) offsets(%dma_start3A_89 : memref<100xi32, #tpu.memory_space<vmem>>) semaphore(%run_scoped3A_86 : memref<!tpu.dma_semaphore, #tpu.memory_space<semaphore_mem>>) {add = true}
        %dma_wait3A_93 = arith.constant 0 : i32
        %dma_wait3A_94 = tpu.memref_slice %arg7[%add3A_59, %dma_wait3A_93] : memref<200x100xi32, #tpu.memory_space<vmem>> -> memref<1x100xi32, #tpu.memory_space<vmem>>
        %dma_wait3A_95 = tpu.memref_squeeze %dma_wait3A_94 : memref<1x100xi32, #tpu.memory_space<vmem>> -> memref<100xi32, #tpu.memory_space<vmem>>
        %dma_wait3A_96 = arith.constant 0 : i32
        %dma_wait3A_97 = arith.constant 0 : i32
        %dma_wait3A_98 = tpu.memref_slice %arg13[%dma_wait3A_96, %dma_wait3A_97] : memref<10008x64xf32, #tpu.memory_space<vmem_shared>> -> memref<10008x64xf32, #tpu.memory_space<vmem_shared>>
        tpu.wait_indirect_dma semaphore(%run_scoped3A_86 : memref<!tpu.dma_semaphore, #tpu.memory_space<semaphore_mem>>) src(%arg8 : memref<100x64xf32, #tpu.memory_space<vmem>>) dst(%dma_wait3A_98 : memref<10008x64xf32, #tpu.memory_space<vmem_shared>>)
        tpu.yield
      }) : () -> ()
    }
    %scan3A_32 = arith.constant 99 : i32
    %dma_wait3A_33 = arith.constant 199 : i32
    %dma_wait3A_34 = arith.constant 0 : i32
    %dma_wait3A_35 = tpu.memref_slice %arg6[%dma_wait3A_33, %dma_wait3A_34] : memref<200x100xi32, #tpu.memory_space<vmem>> -> memref<1x100xi32, #tpu.memory_space<vmem>>
    %dma_wait3A_36 = tpu.memref_squeeze %dma_wait3A_35 : memref<1x100xi32, #tpu.memory_space<vmem>> -> memref<100xi32, #tpu.memory_space<vmem>>
    %dma_wait3A_37 = arith.constant 0 : i32
    %dma_wait3A_38 = arith.constant 0 : i32
    %dma_wait3A_39 = tpu.memref_slice %arg2[%dma_wait3A_37, %dma_wait3A_38] : memref<20000x64xf32, #tpu.memory_space<hbm>> -> memref<20000x64xf32, #tpu.memory_space<hbm>>
    tpu.wait_indirect_dma semaphore(%arg11 : memref<!tpu.dma_semaphore, #tpu.memory_space<semaphore_mem>>) src(%dma_wait3A_39 : memref<20000x64xf32, #tpu.memory_space<hbm>>) dst(%arg9 : memref<100x64xf32, #tpu.memory_space<vmem>>)
    %run_scoped3A_40 = arith.constant 199 : i32
    "tpu.region"() ({
      %run_scoped3A_52 = tpu.sem_alloc : memref<!tpu.dma_semaphore, #tpu.memory_space<semaphore_mem>>
      %dma_start3A_53 = arith.constant 0 : i32
      %dma_start3A_54 = tpu.memref_slice %arg7[%run_scoped3A_40, %dma_start3A_53] : memref<200x100xi32, #tpu.memory_space<vmem>> -> memref<1x100xi32, #tpu.memory_space<vmem>>
      %dma_start3A_55 = tpu.memref_squeeze %dma_start3A_54 : memref<1x100xi32, #tpu.memory_space<vmem>> -> memref<100xi32, #tpu.memory_space<vmem>>
      %dma_start3A_56 = arith.constant 0 : i32
      %dma_start3A_57 = arith.constant 0 : i32
      %dma_start3A_58 = tpu.memref_slice %arg13[%dma_start3A_56, %dma_start3A_57] : memref<10008x64xf32, #tpu.memory_space<vmem_shared>> -> memref<10008x64xf32, #tpu.memory_space<vmem_shared>>
      tpu.enqueue_indirect_dma source(%arg9 : memref<100x64xf32, #tpu.memory_space<vmem>>) target(%dma_start3A_58 : memref<10008x64xf32, #tpu.memory_space<vmem_shared>>) offsets(%dma_start3A_55 : memref<100xi32, #tpu.memory_space<vmem>>) semaphore(%run_scoped3A_52 : memref<!tpu.dma_semaphore, #tpu.memory_space<semaphore_mem>>) {add = true}
      %dma_wait3A_59 = arith.constant 0 : i32
      %dma_wait3A_60 = tpu.memref_slice %arg7[%run_scoped3A_40, %dma_wait3A_59] : memref<200x100xi32, #tpu.memory_space<vmem>> -> memref<1x100xi32, #tpu.memory_space<vmem>>
      %dma_wait3A_61 = tpu.memref_squeeze %dma_wait3A_60 : memref<1x100xi32, #tpu.memory_space<vmem>> -> memref<100xi32, #tpu.memory_space<vmem>>
      %dma_wait3A_62 = arith.constant 0 : i32
      %dma_wait3A_63 = arith.constant 0 : i32
      %dma_wait3A_64 = tpu.memref_slice %arg13[%dma_wait3A_62, %dma_wait3A_63] : memref<10008x64xf32, #tpu.memory_space<vmem_shared>> -> memref<10008x64xf32, #tpu.memory_space<vmem_shared>>
      tpu.wait_indirect_dma semaphore(%run_scoped3A_52 : memref<!tpu.dma_semaphore, #tpu.memory_space<semaphore_mem>>) src(%arg9 : memref<100x64xf32, #tpu.memory_space<vmem>>) dst(%dma_wait3A_64 : memref<10008x64xf32, #tpu.memory_space<vmem_shared>>)
      tpu.yield
    }) : () -> ()
    %barrier3A_41 = arith.constant 0 : index
    tpu.barrier barrier_id(%barrier3A_41)
    %lt3A_42 = arith.constant 15 : i32
    %lt3A_43 = arith.cmpi slt, %arg1, %lt3A_42 : i32
    %convert_element_type3A_44 = arith.extui %lt3A_43 : i1 to i32
    %cond3A_45 = arith.constant 0 : i32
    %cond3A_46 = arith.cmpi ne, %convert_element_type3A_44, %cond3A_45 : i32
    scf.if %cond3A_46 {
      %add3A = arith.addi %mul3A_0, %mul3A_2 : i32
      "tpu.region"() ({
        %run_scoped3A_52 = tpu.sem_alloc : memref<!tpu.dma_semaphore, #tpu.memory_space<semaphore_mem>>
        %dma_start3A_53 = arith.constant 0 : i32
        %dma_start3A_54 = tpu.memref_slice %arg5[%add3A, %dma_start3A_53] : memref<20000x64xf32, #tpu.memory_space<hbm>> -> memref<632x64xf32, #tpu.memory_space<hbm>>
        %dma_start3A_55 = arith.constant 0 : i32
        %dma_start3A_56 = tpu.memref_slice %arg13[%mul3A_2, %dma_start3A_55] : memref<10008x64xf32, #tpu.memory_space<vmem_shared>> -> memref<632x64xf32, #tpu.memory_space<vmem_shared>>
        tpu.enqueue_dma source(%dma_start3A_56 : memref<632x64xf32, #tpu.memory_space<vmem_shared>>) target(%dma_start3A_54 : memref<632x64xf32, #tpu.memory_space<hbm>>) target_semaphore(%run_scoped3A_52 : memref<!tpu.dma_semaphore, #tpu.memory_space<semaphore_mem>>)
        %dma_wait3A_57 = arith.constant 0 : i32
        %dma_wait3A_58 = tpu.memref_slice %arg5[%add3A, %dma_wait3A_57] : memref<20000x64xf32, #tpu.memory_space<hbm>> -> memref<632x64xf32, #tpu.memory_space<hbm>>
        %dma_wait3A_59 = arith.constant 0 : i32
        %dma_wait3A_60 = tpu.memref_slice %arg13[%mul3A_2, %dma_wait3A_59] : memref<10008x64xf32, #tpu.memory_space<vmem_shared>> -> memref<632x64xf32, #tpu.memory_space<vmem_shared>>
        tpu.wait_dma2 semaphore(%run_scoped3A_52 : memref<!tpu.dma_semaphore, #tpu.memory_space<semaphore_mem>>) src(%dma_wait3A_60 : memref<632x64xf32, #tpu.memory_space<vmem_shared>>) dst(%dma_wait3A_58 : memref<632x64xf32, #tpu.memory_space<hbm>>)
        tpu.yield
      }) : () -> ()
    } else {
    }
    %eq3A_47 = arith.constant 15 : i32
    %eq3A_48 = arith.cmpi eq, %arg1, %eq3A_47 : i32
    %convert_element_type3A_49 = arith.extui %eq3A_48 : i1 to i32
    %cond3A_50 = arith.constant 0 : i32
    %cond3A_51 = arith.cmpi ne, %convert_element_type3A_49, %cond3A_50 : i32
    scf.if %cond3A_51 {
      %add3A = arith.addi %mul3A_0, %mul3A_2 : i32
      "tpu.region"() ({
        %run_scoped3A_52 = tpu.sem_alloc : memref<!tpu.dma_semaphore, #tpu.memory_space<semaphore_mem>>
        %dma_start3A_53 = arith.constant 0 : i32
        %dma_start3A_54 = tpu.memref_slice %arg5[%add3A, %dma_start3A_53] : memref<20000x64xf32, #tpu.memory_space<hbm>> -> memref<520x64xf32, #tpu.memory_space<hbm>>
        %dma_start3A_55 = arith.constant 0 : i32
        %dma_start3A_56 = tpu.memref_slice %arg13[%mul3A_2, %dma_start3A_55] : memref<10008x64xf32, #tpu.memory_space<vmem_shared>> -> memref<520x64xf32, #tpu.memory_space<vmem_shared>>
        tpu.enqueue_dma source(%dma_start3A_56 : memref<520x64xf32, #tpu.memory_space<vmem_shared>>) target(%dma_start3A_54 : memref<520x64xf32, #tpu.memory_space<hbm>>) target_semaphore(%run_scoped3A_52 : memref<!tpu.dma_semaphore, #tpu.memory_space<semaphore_mem>>)
        %dma_wait3A_57 = arith.constant 0 : i32
        %dma_wait3A_58 = tpu.memref_slice %arg5[%add3A, %dma_wait3A_57] : memref<20000x64xf32, #tpu.memory_space<hbm>> -> memref<520x64xf32, #tpu.memory_space<hbm>>
        %dma_wait3A_59 = arith.constant 0 : i32
        %dma_wait3A_60 = tpu.memref_slice %arg13[%mul3A_2, %dma_wait3A_59] : memref<10008x64xf32, #tpu.memory_space<vmem_shared>> -> memref<520x64xf32, #tpu.memory_space<vmem_shared>>
        tpu.wait_dma2 semaphore(%run_scoped3A_52 : memref<!tpu.dma_semaphore, #tpu.memory_space<semaphore_mem>>) src(%dma_wait3A_60 : memref<520x64xf32, #tpu.memory_space<vmem_shared>>) dst(%dma_wait3A_58 : memref<520x64xf32, #tpu.memory_space<hbm>>)
        tpu.yield
      }) : () -> ()
    } else {
    }
    return
  }
}

module attributes {stable_mosaic.version = 14 : i64} {
  func.func @_proj_body(%arg0: i32, %arg1: i32, %arg2: memref<1x2000x128xf32, #tpu.memory_space<vmem>>, %arg3: memref<128x64xf32, #tpu.memory_space<vmem>>, %arg4: memref<1x2000x64xf32, #tpu.memory_space<vmem>>) attributes {dimension_semantics = [#tpu.dimension_semantics<arbitrary>, #tpu.dimension_semantics<arbitrary>], iteration_bounds = array<i64: 2, 5>, scalar_prefetch = 0 : i64, scratch_operands = 0 : i64, tpu.core_type = #tpu.core_type<tc>, window_params = [{transform_indices = @transform_0, window_bounds = array<i64: 1, 2000, 128>}, {pipeline_mode = #tpu.pipeline_mode<synchronous>, transform_indices = @transform_1, window_bounds = array<i64: 128, 64>}, {transform_indices = @transform_2, window_bounds = array<i64: 1, 2000, 64>}]} {
    %get3A = arith.constant 0 : index
    %get3A_0 = arith.constant 0 : index
    %get3A_1 = arith.constant 0 : index
    %get3A_2 = vector.load %arg2[%get3A, %get3A_0, %get3A_1] : memref<1x2000x128xf32, #tpu.memory_space<vmem>>, vector<1x2000x128xf32>
    %get3A_3 = vector.shape_cast %get3A_2 : vector<1x2000x128xf32> to vector<2000x128xf32>
    %get3A_4 = arith.constant 0 : index
    %get3A_5 = arith.constant 0 : index
    %get3A_6 = vector.load %arg3[%get3A_4, %get3A_5] : memref<128x64xf32, #tpu.memory_space<vmem>>, vector<128x64xf32>
    %dot_general3A = arith.constant dense<0.000000e+00> : vector<2000x64xf32>
    %dot_general3A_7 = tpu.matmul %get3A_3, %get3A_6, %dot_general3A {dimension_numbers = #tpu.dot_dimension_numbers<[1], [0], [0], [1], [0, 0, 1, 1], [], []>, transpose_lhs_hint = false} : vector<2000x128xf32>, vector<128x64xf32>, vector<2000x64xf32> -> vector<2000x64xf32>
    %broadcast_in_dim3A = vector.shape_cast %dot_general3A_7 : vector<2000x64xf32> to vector<1x2000x64xf32>
    %swap3A = arith.constant 0 : index
    %swap3A_8 = arith.constant 0 : index
    %swap3A_9 = arith.constant 0 : index
    %swap3A_10 = vector.load %arg4[%swap3A, %swap3A_8, %swap3A_9] : memref<1x2000x64xf32, #tpu.memory_space<vmem>>, vector<1x2000x64xf32>
    tpu.vector_store %arg4[%swap3A, %swap3A_8, %swap3A_9], %broadcast_in_dim3A {strides = array<i32>} : memref<1x2000x64xf32, #tpu.memory_space<vmem>>, vector<1x2000x64xf32>,
    return
  }
  func.func @transform_0(%arg0: i32, %arg1: i32) -> (i32, i32, i32) {
    %c0_i32 = arith.constant 0 : i32
    %c0_i32_0 = arith.constant 0 : i32
    return %arg0, %arg1, %c0_i32 : i32, i32, i32
  }
  func.func @transform_1(%arg0: i32, %arg1: i32) -> (i32, i32) {
    %c0_i32 = arith.constant 0 : i32
    %c0_i32_0 = arith.constant 0 : i32
    %c0_i32_1 = arith.constant 0 : i32
    return %c0_i32, %c0_i32_0 : i32, i32
  }
  func.func @transform_2(%arg0: i32, %arg1: i32) -> (i32, i32, i32) {
    %c0_i32 = arith.constant 0 : i32
    %c0_i32_0 = arith.constant 0 : i32
    return %arg0, %arg1, %c0_i32 : i32, i32, i32
  }
}

module attributes {stable_mosaic.version = 14 : i64} {
  func.func @_mid_body(%arg0: i32, %arg1: i32, %arg2: memref<1x2000x64xf32, #tpu.memory_space<vmem>>, %arg3: memref<1x64xf32, #tpu.memory_space<vmem>>, %arg4: memref<64x64xf32, #tpu.memory_space<vmem>>, %arg5: memref<1x64xf32, #tpu.memory_space<vmem>>, %arg6: memref<1x64xf32, #tpu.memory_space<vmem>>, %arg7: memref<1x64xf32, #tpu.memory_space<vmem>>, %arg8: memref<64x64xf32, #tpu.memory_space<vmem>>, %arg9: memref<1x2000x64xf32, #tpu.memory_space<vmem>>) attributes {dimension_semantics = [#tpu.dimension_semantics<arbitrary>, #tpu.dimension_semantics<arbitrary>], iteration_bounds = array<i64: 2, 5>, scalar_prefetch = 0 : i64, scratch_operands = 0 : i64, tpu.core_type = #tpu.core_type<tc>, window_params = [{transform_indices = @transform_0, window_bounds = array<i64: 1, 2000, 64>}, {pipeline_mode = #tpu.pipeline_mode<synchronous>, transform_indices = @transform_1, window_bounds = array<i64: 1, 64>}, {pipeline_mode = #tpu.pipeline_mode<synchronous>, transform_indices = @transform_2, window_bounds = array<i64: 64, 64>}, {pipeline_mode = #tpu.pipeline_mode<synchronous>, transform_indices = @transform_3, window_bounds = array<i64: 1, 64>}, {pipeline_mode = #tpu.pipeline_mode<synchronous>, transform_indices = @transform_4, window_bounds = array<i64: 1, 64>}, {pipeline_mode = #tpu.pipeline_mode<synchronous>, transform_indices = @transform_5, window_bounds = array<i64: 1, 64>}, {pipeline_mode = #tpu.pipeline_mode<synchronous>, transform_indices = @transform_6, window_bounds = array<i64: 64, 64>}, {transform_indices = @transform_7, window_bounds = array<i64: 1, 2000, 64>}]} {
    %get3A = arith.constant 0 : index
    %get3A_0 = arith.constant 0 : index
    %get3A_1 = arith.constant 0 : index
    %get3A_2 = vector.load %arg2[%get3A, %get3A_0, %get3A_1] : memref<1x2000x64xf32, #tpu.memory_space<vmem>>, vector<1x2000x64xf32>
    %get3A_3 = vector.shape_cast %get3A_2 : vector<1x2000x64xf32> to vector<2000x64xf32>
    %get3A_4 = arith.constant 0 : index
    %get3A_5 = arith.constant 0 : index
    %get3A_6 = vector.load %arg3[%get3A_4, %get3A_5] : memref<1x64xf32, #tpu.memory_space<vmem>>, vector<1x64xf32>
    %add3A = vector.broadcast %get3A_6 : vector<1x64xf32> to vector<2000x64xf32>
    %add3A_7 = arith.addf %get3A_3, %add3A : vector<2000x64xf32>
    %max3A = arith.constant 0.000000e+00 : f32
    %max3A_8 = vector.broadcast %max3A : f32 to vector<2000x64xf32>
    %max3A_9 = arith.maximumf %add3A_7, %max3A_8 : vector<2000x64xf32>
    %get3A_10 = arith.constant 0 : index
    %get3A_11 = arith.constant 0 : index
    %get3A_12 = vector.load %arg4[%get3A_10, %get3A_11] : memref<64x64xf32, #tpu.memory_space<vmem>>, vector<64x64xf32>
    %dot_general3A = arith.constant dense<0.000000e+00> : vector<2000x64xf32>
    %dot_general3A_13 = tpu.matmul %max3A_9, %get3A_12, %dot_general3A {dimension_numbers = #tpu.dot_dimension_numbers<[1], [0], [0], [1], [0, 0, 1, 1], [], []>, transpose_lhs_hint = false} : vector<2000x64xf32>, vector<64x64xf32>, vector<2000x64xf32> -> vector<2000x64xf32>
    %get3A_14 = arith.constant 0 : index
    %get3A_15 = arith.constant 0 : index
    %get3A_16 = vector.load %arg5[%get3A_14, %get3A_15] : memref<1x64xf32, #tpu.memory_space<vmem>>, vector<1x64xf32>
    %add3A_17 = vector.broadcast %get3A_16 : vector<1x64xf32> to vector<2000x64xf32>
    %add3A_18 = arith.addf %dot_general3A_13, %add3A_17 : vector<2000x64xf32>
    %reduce_sum3A = arith.constant dense<0.000000e+00> : vector<2000xf32>
    %reduce_sum3A_19 = vector.multi_reduction <add>, %add3A_18, %reduce_sum3A [1] : vector<2000x64xf32> to vector<2000xf32>
    %broadcast_in_dim3A = vector.shape_cast %reduce_sum3A_19 : vector<2000xf32> to vector<2000x1xf32>
    %div3A = arith.constant 6.400000e+01 : f32
    %div3A_20 = vector.broadcast %div3A : f32 to vector<2000x1xf32>
    %div3A_21 = arith.divf %broadcast_in_dim3A, %div3A_20 : vector<2000x1xf32>
    %sub3A = vector.broadcast %div3A_21 : vector<2000x1xf32> to vector<2000x64xf32>
    %sub3A_22 = arith.subf %add3A_18, %sub3A : vector<2000x64xf32>
    %integer_pow3A = arith.mulf %sub3A_22, %sub3A_22 : vector<2000x64xf32>
    %reduce_sum3A_23 = arith.constant dense<0.000000e+00> : vector<2000xf32>
    %reduce_sum3A_24 = vector.multi_reduction <add>, %integer_pow3A, %reduce_sum3A_23 [1] : vector<2000x64xf32> to vector<2000xf32>
    %broadcast_in_dim3A_25 = vector.shape_cast %reduce_sum3A_24 : vector<2000xf32> to vector<2000x1xf32>
    %div3A_26 = arith.constant 6.400000e+01 : f32
    %div3A_27 = vector.broadcast %div3A_26 : f32 to vector<2000x1xf32>
    %div3A_28 = arith.divf %broadcast_in_dim3A_25, %div3A_27 : vector<2000x1xf32>
    %sub3A_29 = vector.broadcast %div3A_21 : vector<2000x1xf32> to vector<2000x64xf32>
    %sub3A_30 = arith.subf %add3A_18, %sub3A_29 : vector<2000x64xf32>
    %add3A_31 = arith.constant 9.99999974E-6 : f32
    %add3A_32 = vector.broadcast %add3A_31 : f32 to vector<2000x1xf32>
    %add3A_33 = arith.addf %div3A_28, %add3A_32 : vector<2000x1xf32>
    %rsqrt3A = math.rsqrt %add3A_33 : vector<2000x1xf32>
    %mul3A = vector.broadcast %rsqrt3A : vector<2000x1xf32> to vector<2000x64xf32>
    %mul3A_34 = arith.mulf %sub3A_30, %mul3A : vector<2000x64xf32>
    %get3A_35 = arith.constant 0 : index
    %get3A_36 = arith.constant 0 : index
    %get3A_37 = vector.load %arg6[%get3A_35, %get3A_36] : memref<1x64xf32, #tpu.memory_space<vmem>>, vector<1x64xf32>
    %mul3A_38 = vector.broadcast %get3A_37 : vector<1x64xf32> to vector<2000x64xf32>
    %mul3A_39 = arith.mulf %mul3A_34, %mul3A_38 : vector<2000x64xf32>
    %get3A_40 = arith.constant 0 : index
    %get3A_41 = arith.constant 0 : index
    %get3A_42 = vector.load %arg7[%get3A_40, %get3A_41] : memref<1x64xf32, #tpu.memory_space<vmem>>, vector<1x64xf32>
    %add3A_43 = vector.broadcast %get3A_42 : vector<1x64xf32> to vector<2000x64xf32>
    %add3A_44 = arith.addf %mul3A_39, %add3A_43 : vector<2000x64xf32>
    %max3A_45 = arith.constant 0.000000e+00 : f32
    %max3A_46 = vector.broadcast %max3A_45 : f32 to vector<2000x64xf32>
    %max3A_47 = arith.maximumf %add3A_44, %max3A_46 : vector<2000x64xf32>
    %get3A_48 = arith.constant 0 : index
    %get3A_49 = arith.constant 0 : index
    %get3A_50 = vector.load %arg8[%get3A_48, %get3A_49] : memref<64x64xf32, #tpu.memory_space<vmem>>, vector<64x64xf32>
    %dot_general3A_51 = arith.constant dense<0.000000e+00> : vector<2000x64xf32>
    %dot_general3A_52 = tpu.matmul %max3A_47, %get3A_50, %dot_general3A_51 {dimension_numbers = #tpu.dot_dimension_numbers<[1], [0], [0], [1], [0, 0, 1, 1], [], []>, transpose_lhs_hint = false} : vector<2000x64xf32>, vector<64x64xf32>, vector<2000x64xf32> -> vector<2000x64xf32>
    %broadcast_in_dim3A_53 = vector.shape_cast %dot_general3A_52 : vector<2000x64xf32> to vector<1x2000x64xf32>
    %swap3A = arith.constant 0 : index
    %swap3A_54 = arith.constant 0 : index
    %swap3A_55 = arith.constant 0 : index
    %swap3A_56 = vector.load %arg9[%swap3A, %swap3A_54, %swap3A_55] : memref<1x2000x64xf32, #tpu.memory_space<vmem>>, vector<1x2000x64xf32>
    tpu.vector_store %arg9[%swap3A, %swap3A_54, %swap3A_55], %broadcast_in_dim3A_53 {strides = array<i32>} : memref<1x2000x64xf32, #tpu.memory_space<vmem>>, vector<1x2000x64xf32>,
    return
  }
  func.func @transform_0(%arg0: i32, %arg1: i32) -> (i32, i32, i32) {
    %c0_i32 = arith.constant 0 : i32
    %c0_i32_0 = arith.constant 0 : i32
    return %arg0, %arg1, %c0_i32 : i32, i32, i32
  }
  func.func @transform_1(%arg0: i32, %arg1: i32) -> (i32, i32) {
    %c0_i32 = arith.constant 0 : i32
    %c0_i32_0 = arith.constant 0 : i32
    %c0_i32_1 = arith.constant 0 : i32
    return %c0_i32, %c0_i32_0 : i32, i32
  }
  func.func @transform_2(%arg0: i32, %arg1: i32) -> (i32, i32) {
    %c0_i32 = arith.constant 0 : i32
    %c0_i32_0 = arith.constant 0 : i32
    %c0_i32_1 = arith.constant 0 : i32
    return %c0_i32, %c0_i32_0 : i32, i32
  }
  func.func @transform_3(%arg0: i32, %arg1: i32) -> (i32, i32) {
    %c0_i32 = arith.constant 0 : i32
    %c0_i32_0 = arith.constant 0 : i32
    %c0_i32_1 = arith.constant 0 : i32
    return %c0_i32, %c0_i32_0 : i32, i32
  }
  func.func @transform_4(%arg0: i32, %arg1: i32) -> (i32, i32) {
    %c0_i32 = arith.constant 0 : i32
    %c0_i32_0 = arith.constant 0 : i32
    %c0_i32_1 = arith.constant 0 : i32
    return %c0_i32, %c0_i32_0 : i32, i32
  }
  func.func @transform_5(%arg0: i32, %arg1: i32) -> (i32, i32) {
    %c0_i32 = arith.constant 0 : i32
    %c0_i32_0 = arith.constant 0 : i32
    %c0_i32_1 = arith.constant 0 : i32
    return %c0_i32, %c0_i32_0 : i32, i32
  }
  func.func @transform_6(%arg0: i32, %arg1: i32) -> (i32, i32) {
    %c0_i32 = arith.constant 0 : i32
    %c0_i32_0 = arith.constant 0 : i32
    %c0_i32_1 = arith.constant 0 : i32
    return %c0_i32, %c0_i32_0 : i32, i32
  }
  func.func @transform_7(%arg0: i32, %arg1: i32) -> (i32, i32, i32) {
    %c0_i32 = arith.constant 0 : i32
    %c0_i32_0 = arith.constant 0 : i32
    return %arg0, %arg1, %c0_i32 : i32, i32, i32
  }
}

module attributes {stable_mosaic.version = 14 : i64} {
  func.func @_pool_body(%arg0: i32, %arg1: i32, %arg2: memref<1x2000x64xf32, #tpu.memory_space<vmem>>, %arg3: memref<1x64xf32, #tpu.memory_space<vmem>>, %arg4: memref<64x64xf32, #tpu.memory_space<vmem>>, %arg5: memref<1x64xf32, #tpu.memory_space<vmem>>, %arg6: memref<1x64xf32, #tpu.memory_space<vmem>>, %arg7: memref<1x64xf32, #tpu.memory_space<vmem>>, %arg8: memref<1x1x2000xf32, #tpu.memory_space<vmem>>, %arg9: memref<1x64x64xf32, #tpu.memory_space<vmem>>, %arg10: memref<64x128xf32, #tpu.memory_space<vmem>>) attributes {dimension_semantics = [#tpu.dimension_semantics<arbitrary>, #tpu.dimension_semantics<arbitrary>], iteration_bounds = array<i64: 2, 5>, scalar_prefetch = 0 : i64, scratch_operands = 1 : i64, tpu.core_type = #tpu.core_type<tc>, window_params = [{transform_indices = @transform_0, window_bounds = array<i64: 1, 2000, 64>}, {pipeline_mode = #tpu.pipeline_mode<synchronous>, transform_indices = @transform_1, window_bounds = array<i64: 1, 64>}, {pipeline_mode = #tpu.pipeline_mode<synchronous>, transform_indices = @transform_2, window_bounds = array<i64: 64, 64>}, {pipeline_mode = #tpu.pipeline_mode<synchronous>, transform_indices = @transform_3, window_bounds = array<i64: 1, 64>}, {pipeline_mode = #tpu.pipeline_mode<synchronous>, transform_indices = @transform_4, window_bounds = array<i64: 1, 64>}, {pipeline_mode = #tpu.pipeline_mode<synchronous>, transform_indices = @transform_5, window_bounds = array<i64: 1, 64>}, {transform_indices = @transform_6, window_bounds = array<i64: 1, 1, 2000>}, {transform_indices = @transform_7, window_bounds = array<i64: 1, 64, 64>}]} {
    %get3A = arith.constant 0 : index
    %get3A_0 = arith.constant 0 : index
    %get3A_1 = arith.constant 0 : index
    %get3A_2 = vector.load %arg2[%get3A, %get3A_0, %get3A_1] : memref<1x2000x64xf32, #tpu.memory_space<vmem>>, vector<1x2000x64xf32>
    %get3A_3 = vector.shape_cast %get3A_2 : vector<1x2000x64xf32> to vector<2000x64xf32>
    %get3A_4 = arith.constant 0 : index
    %get3A_5 = arith.constant 0 : index
    %get3A_6 = vector.load %arg3[%get3A_4, %get3A_5] : memref<1x64xf32, #tpu.memory_space<vmem>>, vector<1x64xf32>
    %add3A = vector.broadcast %get3A_6 : vector<1x64xf32> to vector<2000x64xf32>
    %add3A_7 = arith.addf %get3A_3, %add3A : vector<2000x64xf32>
    %max3A = arith.constant 0.000000e+00 : f32
    %max3A_8 = vector.broadcast %max3A : f32 to vector<2000x64xf32>
    %max3A_9 = arith.maximumf %add3A_7, %max3A_8 : vector<2000x64xf32>
    %get3A_10 = arith.constant 0 : index
    %get3A_11 = arith.constant 0 : index
    %get3A_12 = vector.load %arg4[%get3A_10, %get3A_11] : memref<64x64xf32, #tpu.memory_space<vmem>>, vector<64x64xf32>
    %dot_general3A = arith.constant dense<0.000000e+00> : vector<2000x64xf32>
    %dot_general3A_13 = tpu.matmul %max3A_9, %get3A_12, %dot_general3A {dimension_numbers = #tpu.dot_dimension_numbers<[1], [0], [0], [1], [0, 0, 1, 1], [], []>, transpose_lhs_hint = false} : vector<2000x64xf32>, vector<64x64xf32>, vector<2000x64xf32> -> vector<2000x64xf32>
    %get3A_14 = arith.constant 0 : index
    %get3A_15 = arith.constant 0 : index
    %get3A_16 = vector.load %arg5[%get3A_14, %get3A_15] : memref<1x64xf32, #tpu.memory_space<vmem>>, vector<1x64xf32>
    %add3A_17 = vector.broadcast %get3A_16 : vector<1x64xf32> to vector<2000x64xf32>
    %add3A_18 = arith.addf %dot_general3A_13, %add3A_17 : vector<2000x64xf32>
    %reduce_sum3A = arith.constant dense<0.000000e+00> : vector<2000xf32>
    %reduce_sum3A_19 = vector.multi_reduction <add>, %add3A_18, %reduce_sum3A [1] : vector<2000x64xf32> to vector<2000xf32>
    %broadcast_in_dim3A = vector.shape_cast %reduce_sum3A_19 : vector<2000xf32> to vector<2000x1xf32>
    %div3A = arith.constant 6.400000e+01 : f32
    %div3A_20 = vector.broadcast %div3A : f32 to vector<2000x1xf32>
    %div3A_21 = arith.divf %broadcast_in_dim3A, %div3A_20 : vector<2000x1xf32>
    %sub3A = vector.broadcast %div3A_21 : vector<2000x1xf32> to vector<2000x64xf32>
    %sub3A_22 = arith.subf %add3A_18, %sub3A : vector<2000x64xf32>
    %integer_pow3A = arith.mulf %sub3A_22, %sub3A_22 : vector<2000x64xf32>
    %reduce_sum3A_23 = arith.constant dense<0.000000e+00> : vector<2000xf32>
    %reduce_sum3A_24 = vector.multi_reduction <add>, %integer_pow3A, %reduce_sum3A_23 [1] : vector<2000x64xf32> to vector<2000xf32>
    %broadcast_in_dim3A_25 = vector.shape_cast %reduce_sum3A_24 : vector<2000xf32> to vector<2000x1xf32>
    %div3A_26 = arith.constant 6.400000e+01 : f32
    %div3A_27 = vector.broadcast %div3A_26 : f32 to vector<2000x1xf32>
    %div3A_28 = arith.divf %broadcast_in_dim3A_25, %div3A_27 : vector<2000x1xf32>
    %sub3A_29 = vector.broadcast %div3A_21 : vector<2000x1xf32> to vector<2000x64xf32>
    %sub3A_30 = arith.subf %add3A_18, %sub3A_29 : vector<2000x64xf32>
    %add3A_31 = arith.constant 9.99999974E-6 : f32
    %add3A_32 = vector.broadcast %add3A_31 : f32 to vector<2000x1xf32>
    %add3A_33 = arith.addf %div3A_28, %add3A_32 : vector<2000x1xf32>
    %rsqrt3A = math.rsqrt %add3A_33 : vector<2000x1xf32>
    %mul3A = vector.broadcast %rsqrt3A : vector<2000x1xf32> to vector<2000x64xf32>
    %mul3A_34 = arith.mulf %sub3A_30, %mul3A : vector<2000x64xf32>
    %get3A_35 = arith.constant 0 : index
    %get3A_36 = arith.constant 0 : index
    %get3A_37 = vector.load %arg6[%get3A_35, %get3A_36] : memref<1x64xf32, #tpu.memory_space<vmem>>, vector<1x64xf32>
    %mul3A_38 = vector.broadcast %get3A_37 : vector<1x64xf32> to vector<2000x64xf32>
    %mul3A_39 = arith.mulf %mul3A_34, %mul3A_38 : vector<2000x64xf32>
    %get3A_40 = arith.constant 0 : index
    %get3A_41 = arith.constant 0 : index
    %get3A_42 = vector.load %arg7[%get3A_40, %get3A_41] : memref<1x64xf32, #tpu.memory_space<vmem>>, vector<1x64xf32>
    %add3A_43 = vector.broadcast %get3A_42 : vector<1x64xf32> to vector<2000x64xf32>
    %add3A_44 = arith.addf %mul3A_39, %add3A_43 : vector<2000x64xf32>
    %max3A_45 = arith.constant 0.000000e+00 : f32
    %max3A_46 = vector.broadcast %max3A_45 : f32 to vector<2000x64xf32>
    %max3A_47 = arith.maximumf %add3A_44, %max3A_46 : vector<2000x64xf32>
    %get3A_48 = arith.constant 0 : index
    %get3A_49 = arith.constant 0 : index
    %get3A_50 = arith.constant 0 : index
    %get3A_51 = vector.load %arg8[%get3A_48, %get3A_49, %get3A_50] : memref<1x1x2000xf32, #tpu.memory_space<vmem>>, vector<1x1x2000xf32>
    %get3A_52 = vector.shape_cast %get3A_51 : vector<1x1x2000xf32> to vector<2000xf32>
    %iota3A = tpu.iota {dimensions = array<i32: 0>} : vector<64x2000xi32>
    %convert_element_type3A = arith.sitofp %iota3A : vector<64x2000xi32> to vector<64x2000xf32>
    %broadcast_in_dim3A_53 = vector.shape_cast %get3A_52 : vector<2000xf32> to vector<1x2000xf32>
    %eq3A = vector.broadcast %broadcast_in_dim3A_53 : vector<1x2000xf32> to vector<64x2000xf32>
    %eq3A_54 = arith.cmpf oeq, %convert_element_type3A, %eq3A : vector<64x2000xf32>
    %convert_element_type3A_55 = arith.extui %eq3A_54 : vector<64x2000xi1> to vector<64x2000xi32>
    %convert_element_type3A_56 = arith.sitofp %convert_element_type3A_55 : vector<64x2000xi32> to vector<64x2000xf32>
    %broadcast_in_dim3A_57 = arith.constant 1.000000e+00 : f32
    %broadcast_in_dim3A_58 = vector.broadcast %broadcast_in_dim3A_57 : f32 to vector<2000x64xf32>
    %concatenate3A = tpu.concatenate %max3A_47, %broadcast_in_dim3A_58 in 1 : vector<2000x64xf32>, vector<2000x64xf32> -> vector<2000x128xf32>
    %dot_general3A_59 = arith.constant dense<0.000000e+00> : vector<64x128xf32>
    %dot_general3A_60 = tpu.matmul %convert_element_type3A_56, %concatenate3A, %dot_general3A_59 {dimension_numbers = #tpu.dot_dimension_numbers<[1], [0], [0], [1], [0, 0, 1, 1], [], []>, transpose_lhs_hint = false} : vector<64x2000xf32>, vector<2000x128xf32>, vector<64x128xf32> -> vector<64x128xf32>
    %eq3A_61 = arith.constant 0 : i32
    %eq3A_62 = arith.cmpi eq, %arg1, %eq3A_61 : i32
    %convert_element_type3A_63 = arith.extui %eq3A_62 : i1 to i32
    %cond3A = arith.constant 0 : i32
    %cond3A_64 = arith.cmpi ne, %convert_element_type3A_63, %cond3A : i32
    scf.if %cond3A_64 {
      %swap3A_85 = arith.constant 0 : index
      %swap3A_86 = arith.constant 0 : index
      %swap3A_87 = vector.load %arg10[%swap3A_85, %swap3A_86] : memref<64x128xf32, #tpu.memory_space<vmem>>, vector<64x128xf32>
      tpu.vector_store %arg10[%swap3A_85, %swap3A_86], %dot_general3A_60 {strides = array<i32>} : memref<64x128xf32, #tpu.memory_space<vmem>>, vector<64x128xf32>,
    } else {
    }
    %gt3A = arith.constant 0 : i32
    %gt3A_65 = arith.cmpi sgt, %arg1, %gt3A : i32
    %convert_element_type3A_66 = arith.extui %gt3A_65 : i1 to i32
    %cond3A_67 = arith.constant 0 : i32
    %cond3A_68 = arith.cmpi ne, %convert_element_type3A_66, %cond3A_67 : i32
    scf.if %cond3A_68 {
      %get3A_85 = arith.constant 0 : index
      %get3A_86 = arith.constant 0 : index
      %get3A_87 = vector.load %arg10[%get3A_85, %get3A_86] : memref<64x128xf32, #tpu.memory_space<vmem>>, vector<64x128xf32>
      %add3A_88 = arith.addf %get3A_87, %dot_general3A_60 : vector<64x128xf32>
      %swap3A_89 = arith.constant 0 : index
      %swap3A_90 = arith.constant 0 : index
      %swap3A_91 = vector.load %arg10[%swap3A_89, %swap3A_90] : memref<64x128xf32, #tpu.memory_space<vmem>>, vector<64x128xf32>
      tpu.vector_store %arg10[%swap3A_89, %swap3A_90], %add3A_88 {strides = array<i32>} : memref<64x128xf32, #tpu.memory_space<vmem>>, vector<64x128xf32>,
    } else {
    }
    %get3A_69 = arith.constant 0 : index
    %get3A_70 = arith.constant 0 : index
    %get3A_71 = vector.load %arg10[%get3A_69, %get3A_70] : memref<64x128xf32, #tpu.memory_space<vmem>>, vector<64x64xf32>
    %get3A_72 = arith.constant 0 : index
    %get3A_73 = arith.constant 64 : index
    %get3A_74 = vector.load %arg10[%get3A_72, %get3A_73] : memref<64x128xf32, #tpu.memory_space<vmem>>, vector<64x1xf32>
    %max3A_75 = arith.constant 1.000000e+00 : f32
    %max3A_76 = vector.broadcast %max3A_75 : f32 to vector<64x1xf32>
    %max3A_77 = arith.maximumf %get3A_74, %max3A_76 : vector<64x1xf32>
    %div3A_78 = vector.broadcast %max3A_77 : vector<64x1xf32> to vector<64x64xf32>
    %div3A_79 = arith.divf %get3A_71, %div3A_78 : vector<64x64xf32>
    %add3A_80 = arith.addf %get3A_71, %div3A_79 : vector<64x64xf32>
    %broadcast_in_dim3A_81 = vector.shape_cast %add3A_80 : vector<64x64xf32> to vector<1x64x64xf32>
    %swap3A = arith.constant 0 : index
    %swap3A_82 = arith.constant 0 : index
    %swap3A_83 = arith.constant 0 : index
    %swap3A_84 = vector.load %arg9[%swap3A, %swap3A_82, %swap3A_83] : memref<1x64x64xf32, #tpu.memory_space<vmem>>, vector<1x64x64xf32>
    tpu.vector_store %arg9[%swap3A, %swap3A_82, %swap3A_83], %broadcast_in_dim3A_81 {strides = array<i32>} : memref<1x64x64xf32, #tpu.memory_space<vmem>>, vector<1x64x64xf32>,
    return
  }
  func.func @transform_0(%arg0: i32, %arg1: i32) -> (i32, i32, i32) {
    %c0_i32 = arith.constant 0 : i32
    %c0_i32_0 = arith.constant 0 : i32
    return %arg0, %arg1, %c0_i32 : i32, i32, i32
  }
  func.func @transform_1(%arg0: i32, %arg1: i32) -> (i32, i32) {
    %c0_i32 = arith.constant 0 : i32
    %c0_i32_0 = arith.constant 0 : i32
    %c0_i32_1 = arith.constant 0 : i32
    return %c0_i32, %c0_i32_0 : i32, i32
  }
  func.func @transform_2(%arg0: i32, %arg1: i32) -> (i32, i32) {
    %c0_i32 = arith.constant 0 : i32
    %c0_i32_0 = arith.constant 0 : i32
    %c0_i32_1 = arith.constant 0 : i32
    return %c0_i32, %c0_i32_0 : i32, i32
  }
  func.func @transform_3(%arg0: i32, %arg1: i32) -> (i32, i32) {
    %c0_i32 = arith.constant 0 : i32
    %c0_i32_0 = arith.constant 0 : i32
    %c0_i32_1 = arith.constant 0 : i32
    return %c0_i32, %c0_i32_0 : i32, i32
  }
  func.func @transform_4(%arg0: i32, %arg1: i32) -> (i32, i32) {
    %c0_i32 = arith.constant 0 : i32
    %c0_i32_0 = arith.constant 0 : i32
    %c0_i32_1 = arith.constant 0 : i32
    return %c0_i32, %c0_i32_0 : i32, i32
  }
  func.func @transform_5(%arg0: i32, %arg1: i32) -> (i32, i32) {
    %c0_i32 = arith.constant 0 : i32
    %c0_i32_0 = arith.constant 0 : i32
    %c0_i32_1 = arith.constant 0 : i32
    return %c0_i32, %c0_i32_0 : i32, i32
  }
  func.func @transform_6(%arg0: i32, %arg1: i32) -> (i32, i32, i32) {
    %mul3A = arith.constant 5 : i32
    %mul3A_0 = arith.muli %arg0, %mul3A : i32
    %add3A = arith.addi %mul3A_0, %arg1 : i32
    %c0_i32 = arith.constant 0 : i32
    %c0_i32_1 = arith.constant 0 : i32
    %c0_i32_2 = arith.constant 0 : i32
    return %add3A, %c0_i32, %c0_i32_1 : i32, i32, i32
  }
  func.func @transform_7(%arg0: i32, %arg1: i32) -> (i32, i32, i32) {
    %c0_i32 = arith.constant 0 : i32
    %c0_i32_0 = arith.constant 0 : i32
    %c0_i32_1 = arith.constant 0 : i32
    return %arg0, %c0_i32, %c0_i32_0 : i32, i32, i32
  }
}

module attributes {stable_mosaic.version = 14 : i64} {
  func.func @_head_body(%arg0: memref<64x138xf32, #tpu.memory_space<vmem>>, %arg1: memref<138x128xf32, #tpu.memory_space<vmem>>, %arg2: memref<1x128xf32, #tpu.memory_space<vmem>>, %arg3: memref<128x64xf32, #tpu.memory_space<vmem>>, %arg4: memref<1x64xf32, #tpu.memory_space<vmem>>, %arg5: memref<64x1xf32, #tpu.memory_space<vmem>>, %arg6: memref<1x1xf32, #tpu.memory_space<vmem>>, %arg7: memref<64x1xf32, #tpu.memory_space<vmem>>) attributes {dimension_semantics = [], scalar_prefetch = 0 : i64, scratch_operands = 0 : i64, tpu.core_type = #tpu.core_type<tc>} {
    %get3A = arith.constant 0 : index
    %get3A_0 = arith.constant 0 : index
    %get3A_1 = vector.load %arg0[%get3A, %get3A_0] : memref<64x138xf32, #tpu.memory_space<vmem>>, vector<64x138xf32>
    %get3A_2 = arith.constant 0 : index
    %get3A_3 = arith.constant 0 : index
    %get3A_4 = vector.load %arg1[%get3A_2, %get3A_3] : memref<138x128xf32, #tpu.memory_space<vmem>>, vector<138x128xf32>
    %dot_general3A = arith.constant dense<0.000000e+00> : vector<64x128xf32>
    %dot_general3A_5 = tpu.matmul %get3A_1, %get3A_4, %dot_general3A {dimension_numbers = #tpu.dot_dimension_numbers<[1], [0], [0], [1], [0, 0, 1, 1], [], []>, transpose_lhs_hint = false} : vector<64x138xf32>, vector<138x128xf32>, vector<64x128xf32> -> vector<64x128xf32>
    %get3A_6 = arith.constant 0 : index
    %get3A_7 = arith.constant 0 : index
    %get3A_8 = vector.load %arg2[%get3A_6, %get3A_7] : memref<1x128xf32, #tpu.memory_space<vmem>>, vector<1x128xf32>
    %add3A = vector.broadcast %get3A_8 : vector<1x128xf32> to vector<64x128xf32>
    %add3A_9 = arith.addf %dot_general3A_5, %add3A : vector<64x128xf32>
    %max3A = arith.constant 0.000000e+00 : f32
    %max3A_10 = vector.broadcast %max3A : f32 to vector<64x128xf32>
    %max3A_11 = arith.maximumf %add3A_9, %max3A_10 : vector<64x128xf32>
    %get3A_12 = arith.constant 0 : index
    %get3A_13 = arith.constant 0 : index
    %get3A_14 = vector.load %arg3[%get3A_12, %get3A_13] : memref<128x64xf32, #tpu.memory_space<vmem>>, vector<128x64xf32>
    %dot_general3A_15 = arith.constant dense<0.000000e+00> : vector<64x64xf32>
    %dot_general3A_16 = tpu.matmul %max3A_11, %get3A_14, %dot_general3A_15 {dimension_numbers = #tpu.dot_dimension_numbers<[1], [0], [0], [1], [0, 0, 1, 1], [], []>, transpose_lhs_hint = false} : vector<64x128xf32>, vector<128x64xf32>, vector<64x64xf32> -> vector<64x64xf32>
    %get3A_17 = arith.constant 0 : index
    %get3A_18 = arith.constant 0 : index
    %get3A_19 = vector.load %arg4[%get3A_17, %get3A_18] : memref<1x64xf32, #tpu.memory_space<vmem>>, vector<1x64xf32>
    %add3A_20 = vector.broadcast %get3A_19 : vector<1x64xf32> to vector<64x64xf32>
    %add3A_21 = arith.addf %dot_general3A_16, %add3A_20 : vector<64x64xf32>
    %max3A_22 = arith.constant 0.000000e+00 : f32
    %max3A_23 = vector.broadcast %max3A_22 : f32 to vector<64x64xf32>
    %max3A_24 = arith.maximumf %add3A_21, %max3A_23 : vector<64x64xf32>
    %get3A_25 = arith.constant 0 : index
    %get3A_26 = arith.constant 0 : index
    %get3A_27 = vector.load %arg5[%get3A_25, %get3A_26] : memref<64x1xf32, #tpu.memory_space<vmem>>, vector<64x1xf32>
    %dot_general3A_28 = arith.constant dense<0.000000e+00> : vector<64x1xf32>
    %dot_general3A_29 = tpu.matmul %max3A_24, %get3A_27, %dot_general3A_28 {dimension_numbers = #tpu.dot_dimension_numbers<[1], [0], [0], [1], [0, 0, 1, 1], [], []>, transpose_lhs_hint = false} : vector<64x64xf32>, vector<64x1xf32>, vector<64x1xf32> -> vector<64x1xf32>
    %get3A_30 = arith.constant 0 : index
    %get3A_31 = arith.constant 0 : index
    %get3A_32 = vector.load %arg6[%get3A_30, %get3A_31] : memref<1x1xf32, #tpu.memory_space<vmem>>, vector<1x1xf32>
    %add3A_33 = vector.broadcast %get3A_32 : vector<1x1xf32> to vector<64x1xf32>
    %add3A_34 = arith.addf %dot_general3A_29, %add3A_33 : vector<64x1xf32>
    %swap3A = arith.constant 0 : index
    %swap3A_35 = arith.constant 0 : index
    %swap3A_36 = vector.load %arg7[%swap3A, %swap3A_35] : memref<64x1xf32, #tpu.memory_space<vmem>>, vector<64x1xf32>
    tpu.vector_store %arg7[%swap3A, %swap3A_35], %add3A_34 {strides = array<i32>} : memref<64x1xf32, #tpu.memory_space<vmem>>, vector<64x1xf32>,
    return
  }
}

</mosaic_0001>

<sc_bundles>
// kernel: kernel.11.cloned.1.call-start
scs
__scs_entry_jumppad:
0x0: {  	(pc) =	sbr.rel $0x88, $3  }
0x1: {  	(tag) =	ssettag $0x0;
	lr =	simm.s32 $0x1  }
0x2: {  	[smem:$0x3F87] =	sst lr;
	_ =	strace $0xD0000000  }
0x3: {  	_ = 	snop  }
0x4: {  	_ = 	snop  }
0x5: {  	_ = 	snop  }
0x6: {  	_ = 	snop  }
0x7: {  	_ = 	snop  }
__scs_overlays_trampoline_lowered:
0x8: {  	[smem:$0x3F96] =	sst s0  }
0x9: {  	[smem:$0x3F97] =	sst s1  }
0xa: {  	[smem:$0x3F98] =	sst s2  }
0xb: {  	[smem:$0x3F99] =	sst s3  }
0xc: {  	[smem:$0x3F9A] =	sst s4  }
0xd: {  	[smem:$0x3F9B] =	sst s5  }
0xe: {  	[smem:$0x3F9C] =	sst s6  }
0xf: {  	[smem:$0x3F9D] =	sst s7  }
0x10: {  	[smem:$0x3F9E] =	sst s8  }
0x11: {  	[smem:$0x3F9F] =	sst s9;
	s0 =	simm.s32 @!p0 $0x0  }
0x12: {  	s1 =	sld [smem:$0x3F85];
	s0 =	simm.s32 @p0 $0x1  }
0x13: {  	[smem:$0x3FA0] =	sst s0;
	s0 =	simm.s32 @!p1 $0x0  }
0x14: {  	s2 =	sld [smem:$0x3F84];
	s0 =	simm.s32 @p1 $0x1  }
0x15: {  	[smem:$0x3FA1] =	sst s0;
	s0 =	simm.s32 @!p2 $0x0  }
0x16: {  	s3 =	sld [smem:$0x3FDB];
	s0 =	simm.s32 @p2 $0x1  }
0x17: {  	s4 =	simm.s32 $0x1BF5;
	[smem:$0x3FA3] =	sst s0  }
0x18: {  	s0 =	sld [smem:$0x3F86];
	_ =	swait.ge [sflag:s4], $0x0  }
0x19: {  	s7 =	sld [smem:$0x3F87]  }
0x1a: {  	s8 =	sadd.s32 $0xFFFFE003, lr  }
0x1b: {  	s9 =	sadd.s32 $0xFFFFFEF7, lr;
	s5 =	simm.s32 $0xFFFFFFFF;
	p2 =	slt.u32 s8, $0xFFFFF086  }
0x1c: {  	p1 =	slt.u32 s9, $0xF7A;
	s5 =	simm.s32 @!p2 $0x0  }
0x1d: {  	s5 =	simm.s32 @p1 $0x1;
	p0 =	seq.s32 s7, s2  }
0x1e: {  	s7 =	smul.u32 @!p0 $0xF7A, s2;
	p2 =	seq.s32 @!p0 s5, $0x0  }
0x1f: {  	s9 =	smul.u32 $0xF7A, s1;
	s8 =	simm.s32 @!p0 $0x1BF5;
	p2 =	por !p2, p0  }
0x20: {  	[sflag:s8] =	ssyncset.s32 @!p0 $0xFFFFF086;
	s6 =	sadd.s32 @!p0 s3, s7;
	s7 =	simm.s32 @!p0 $0x108  }
0x21: {  	s3 =	sadd.s32 s3, s9;
	s6 =	sadd.s32 @!p0 $0x88, s6;
	s7 =	simm.s32 @p2 $0x1082  }
0x22: {  	[simem:s7], [sflag:s8] =	dma.local @!p0 [hbm:s6], $0xF7A  }
0x23: {  	s9 =	sor.u32 $0xD0000000, s2;
	s6 =	simm.s32 $0x108;
	_ =	swait.ge @!p0 [sflag:s8], $0x0  }
0x24: {  	s3 =	sadd.s32 $0x88, s3;
	s6 =	simm.s32 @!p1 $0x1082;
	[sflag:s4] =	ssyncset.s32 $0xFFFFF086  }
0x25: {  	[simem:s6], [sflag:s4] =	dma.local [hbm:s3], $0xF7A  }
0x26: {  	[smem:$0x3F87] =	sst s1;
	(tag) =	ssettag s2;
	_ =	strace s9  }
0x27: {  	s1 =	sld [smem:$0x3F97]  }
0x28: {  	s2 =	sld [smem:$0x3F98]  }
0x29: {  	s4 =	sld [smem:$0x3F9A]  }
0x2a: {  	p0 =	seq.s32 s5, $0x0;
	s5 =	sld [smem:$0x3F9B]  }
0x2b: {  	s6 =	sld [smem:$0x3F9C]  }
0x2c: {  	s7 =	sld [smem:$0x3F9D]  }
0x2d: {  	s3 =	simm.s32 $0x108;
	s8 =	sld [smem:$0x3F9E]  }
0x2e: {  	s3 =	simm.s32 @!p0 $0x1082;
	s9 =	sld [smem:$0x3F9F]  }
0x2f: {  	lr =	sadd.s32 s0, s3;
	s0 =	sld [smem:$0x3F96]  }
0x30: {  	s3 =	sld [smem:$0x3F99]  }
0x31: {  	[smem:$0x3FA2] =	sst s10  }
0x32: {  	s10 =	sld [smem:$0x3FA0];
	_ =	sdelay $0x3  }
0x33: {  	p0 =	seq.s32 s10, $0x1;
	s10 =	sld [smem:$0x3FA2];
	_ =	sdelay $0x3  }
0x34: {  	[smem:$0x3FA2] =	sst s10  }
0x35: {  	s10 =	sld [smem:$0x3FA1];
	_ =	sdelay $0x3  }
0x36: {  	p1 =	seq.s32 s10, $0x1;
	s10 =	sld [smem:$0x3FA2];
	_ =	sdelay $0x3  }
0x37: {  	[smem:$0x3FA2] =	sst s10  }
0x38: {  	s10 =	sld [smem:$0x3FA3]  }
0x39: {  	_ = 	snop;
	(pc) =	sbr.ind lr, $3  }
0x3a: {  	_ = 	snop  }
0x3b: {  	_ = 	snop  }
0x3c: {  	p2 =	seq.s32 s10, $0x1;
	s10 =	sld [smem:$0x3FA2]  }
0x3d: {  	_ =	shalt  }
0x3e: {  	_ =	shalt  }
0x3f: {  	_ =	shalt  }
0x40: {  	_ =	shalt  }
0x41: {  	_ =	shalt  }
0x42: {  	_ =	shalt  }
0x43: {  	_ =	shalt  }
0x44: {  	_ =	shalt  }
0x45: {  	_ =	shalt  }
0x46: {  	_ =	shalt  }
0x47: {  	_ =	shalt  }
0x48: {  	_ =	shalt  }
0x49: {  	_ =	shalt  }
0x4a: {  	_ =	shalt  }
0x4b: {  	_ =	shalt  }
0x4c: {  	_ =	shalt  }
0x4d: {  	_ =	shalt  }
0x4e: {  	_ =	shalt  }
0x4f: {  	_ =	shalt  }
0x50: {  	_ =	shalt  }
0x51: {  	_ =	shalt  }
0x52: {  	_ =	shalt  }
0x53: {  	_ =	shalt  }
0x54: {  	_ =	shalt  }
0x55: {  	_ =	shalt  }
0x56: {  	_ =	shalt  }
0x57: {  	_ =	shalt  }
0x58: {  	_ =	shalt  }
0x59: {  	_ =	shalt  }
0x5a: {  	_ =	shalt  }
0x5b: {  	_ =	shalt  }
0x5c: {  	_ =	shalt  }
0x5d: {  	_ =	shalt  }
0x5e: {  	_ =	shalt  }
0x5f: {  	_ =	shalt  }
0x60: {  	_ =	shalt  }
0x61: {  	_ =	shalt  }
0x62: {  	_ =	shalt  }
0x63: {  	_ =	shalt  }
0x64: {  	_ =	shalt  }
0x65: {  	_ =	shalt  }
0x66: {  	_ =	shalt  }
0x67: {  	_ =	shalt  }
0x68: {  	_ =	shalt  }
0x69: {  	_ =	shalt  }
0x6a: {  	_ =	shalt  }
0x6b: {  	_ =	shalt  }
0x6c: {  	_ =	shalt  }
0x6d: {  	_ =	shalt  }
0x6e: {  	_ =	shalt  }
0x6f: {  	_ =	shalt  }
0x70: {  	_ =	shalt  }
0x71: {  	_ =	shalt  }
0x72: {  	_ =	shalt  }
0x73: {  	_ =	shalt  }
0x74: {  	_ =	shalt  }
0x75: {  	_ =	shalt  }
0x76: {  	_ =	shalt  }
0x77: {  	_ =	shalt  }
0x78: {  	_ =	shalt  }
0x79: {  	_ =	shalt  }
0x7a: {  	_ =	shalt  }
0x7b: {  	_ =	shalt  }
0x7c: {  	_ =	shalt  }
0x7d: {  	_ =	shalt  }
0x7e: {  	_ =	shalt  }
0x7f: {  	_ =	shalt  }
0x80: {  	_ =	shalt  }
0x81: {  	_ =	shalt  }
0x82: {  	_ =	shalt  }
0x83: {  	_ =	shalt  }
0x84: {  	_ =	shalt  }
0x85: {  	_ =	shalt  }
0x86: {  	_ =	shalt  }
0x87: {  	_ =	shalt  }
.Lfunc_end0:
.L_simem_size_0:
called_computation.1_lowered:
.L_overlay_start_0:
0x88: {  	s2 =	sld [smem:$0x3FD9]  }
0x89: {  	s3 =	sld [smem:$0x3FFE];
	_ =	sdelay $0x1  }
0x8a: {  	s1 =	srdreg.scid  }
0x8b: {  	s0 =	sand.u32 $0x1, s1  }
0x8c: {  	s16 =	sshll.u32 s0, $0xA;
	s2 =	sadd.s32 s3, s2  }
0x8d: {  	s2 =	sadd.s32 s2, s16  }
0x8e: {  	[smem:$0x3FAE] =	sst s2  }
0x8f: {  	_ = 	snop  }
0x90: {  	(tm) =	ssettm $0x1  }
0x91: {  	s17 =	sld [smem:$0x3FFB];
	_ =	sdelay $0x3  }
0x92: {  	_ =	strace s17  }
0x93: {  	s2 =	sld [smem:$0x3FFC];
	_ =	sdelay $0x3  }
0x94: {  	_ =	strace s2  }
0x95: {  	s2 =	sld [smem:$0x3FFD];
	_ =	sdelay $0x3  }
0x96: {  	_ =	strace s2  }
0x97: {  	_ =	strace $0x8FFFFFFF  }
0x98: {  	s18 =	sld [smem:$0x3FDB];
	_ =	sdelay $0x1  }
0x99: {  	s19 =	simm.s32 $_scs_section_size  }
0x9a: {  	s4 =	simm.s32 $_size__tile_overlayer_lowered;
	s5 =	simm.s32 $_tile_overlayer_lowered  }
0x9b: {  	s22 =	simm.s32 $0x1BFF;
	s21 =	sshll.u32 s5, $0x1;
	s2 =	sadd.s32 s19, s18  }
0x9c: {  	s6 =	simm.s32 $0x0;
	s20 =	sshll.u32 s4, $0x1;
	s4 =	sadd.s32 s21, s2  }
0x9d: {  	[timem:s6], [sflag:s22] =	dma.local [hbm:s4], s20  }
0x9e: {  	_ =	swait.ge [sflag:s22], s20  }
0x9f: {  	s3 =	ssub.s32 $0x0, s20;
	[sflag:s22] =	ssyncset.done $0x0  }
0xa0: {  	[sflag:s22] =	ssyncadd.s32 s3;
	_ =	sdelay $0x1  }
0xa1: {  	s23 =	simm.s32 $0x1B8B  }
0xa2: {  	_ =	swait.ge [sflag:s23], $0x1  }
0xa3: {  	[sflag:s23] =	ssyncset.done $0x0  }
0xa4: {  	s25 =	simm.s32 $0x1B8E;
	s24 =	sld [smem:$0x3FFE];
	[sflag:s23] =	ssyncadd.s32 $0xFFFFFFFF  }
0xa5: {  	s26 =	simm.s32 $execute0_lowered;
	[smem:$0x3FD2] =	sst s25  }
0xa6: {  	s4 =	sshll.u32 s26, $0x1;
	_ =	strace $0x80000049;
	[dreg:$0x1] =	wrdreg $0xFFFFFFFF  }
0xa7: {  	s28 =	simm.s32 $_size_execute0_lowered;
	s2 =	sadd.s32 s2, s4;
	[dreg:$0x0] =	wrdreg $0x0  }
0xa8: {  	s4 =	sshll.u32 s28, $0x1;
	[dreg:$0x2] =	wrdreg s2  }
0xa9: {  	[dreg:$0x3] =	wrdreg s4  }
0xaa: {  	[dreg:$0x4] =	wrdreg $0xC0  }
0xab: {  	_ =	task [dreg:s6], $0x5FFFF  }
0xac: {  	[dreg:$0x1] =	wrdreg $0xFFFFFFFF  }
0xad: {  	[dreg:$0x0] =	wrdreg $0x60  }
0xae: {  	[dreg:$0x2] =	wrdreg s24  }
0xaf: {  	[dreg:$0x3] =	wrdreg $0xD4800  }
0xb0: {  	[dreg:$0x4] =	wrdreg $0x9  }
0xb1: {  	_ =	task.clear_ibuf [dreg:s6], $0x5FFFF;
	_ =	strace $0x90000049  }
0xb2: {  	s29 =	simm.s32 $0x9;
	_ =	strace $0x8000004B  }
0xb3: {  	_ =	swait.ge [sflag:s29], $0x1  }
0xb4: {  	[sflag:s29] =	ssyncadd.s32 $0xFFFFFFFF  }
0xb5: {  	_ =	strace $0x9000004B  }
0xb6: {  	_ =	sfence  }
0xb7: {  	s30 =	sld [smem:$0x0];
	_ =	sdelay $0x2  }
0xb8: {  	s31 =	sshll.u32 s1, $0xD;
	s1 =	sshrl.u32 s1, $0x2  }
0xb9: {  	s3 =	sand.u32 $0x4000, s31;
	s1 =	sadd.s32 s1, s30  }
0xba: {  	s0 =	sor.u32 s3, s0;
	s1 =	sshll.u32 s1, $0x11  }
0xbb: {  	s0 =	sor.u32 s1, s0  }
0xbc: {  	s0 =	sadd.s32 $0x8F2B, s0  }
0xbd: {  	[sflag:s0] =	ssyncadd.remote.s32 $0x1  }
0xbe: {  	_ =	sfence.sel $0xFFFF  }
0xbf: {  	[dreg:$0x0] =	wrdreg $0xFFFFFFFF;
	(pc) =	sbr.abs _section_cstart, $3  }
0xc0: {  	[dreg:$0x1] =	wrdreg $0xFFFFFFFF  }
0xc1: {  	_ =	task.clear_ibuf [dreg:s6], $0x2FFFF;
	_ =	strace $0x9FFFFFFF  }
0xc2: {  	(tm) =	ssettm $0x7FFFFFFF  }
0xc3: {  	_ =	shalt  }
tec
execute0_lowered:
.L_overlay_start_1:
0x0: {  	(tag) =	ssettag $0x1  }
0x1: {  	s5 =	rddreg [dreg:$0x0];
	s0 =	srdreg.scid  }
0x2: {  	s2 =	rddreg [dreg:$0x1];
	s1 =	stileid.u32  }
0x3: {  	s3 =	simm.s32 $0x0;
	s16 =	simm.s32 $0x5140;
	s17 =	simm.s32 $0x64  }
0x4: {  	s18 =	simm.s32 $0xA280;
	s19 =	simm.s32 $0x1;
	s20 =	simm.s32 $0x68  }
0x5: {  	s21 =	simm.s32 $0xBB80;
	s22 =	simm.s32 $0x2;
	s7 =	smul.u32 $0x5140, s1  }
0x6: {  	s23 =	simm.s32 $0xA218;
	s24 =	simm.s32 $0x0;
	s9 =	smul.u32 $0x278, s1  }
0x7: {  	s6 =	sand.u32 $0x1, s0;
	s0 =	rddreg [dreg:$0x2];
	s11 =	smul.u32 $0x27800, s1  }
0x8: {  	[smem:$0x7FF] =	sst s3;
	s12 =	sadd.s32 $0x53200, s5;
	s4 =	smul.u32 $0x51400, s6  }
0x9: {  	s15 =	sadd.s32 $0x94200, s2;
	p0 =	seq.s32 s1, $0xF;
	s8 =	smul.u32 $0x2710, s6  }
0xa: {  	_ =	strace $0x8000004A;
	s26 =	ssub.s32 $0x2, s6;
	s6 =	smul.u32 $0x9C400, s6  }
0xb: {  	s28 =	sshrl.u32 s26, $0x1;
	s29 =	sshrl.u32 s11, $0x2;
	s7 =	sadd.s32 s7, s4  }
0xc: {  	s4 =	sadd.s32 $0x2C000, s5;
	s13 =	ssub.s32 s26, s28;
	s30 =	sadd.s32 s9, s8  }
0xd: {  	s14 =	sadd.s32 s29, s2;
	s6 =	sshrl.u32 s6, $0x3;
	s7 =	sshrl.u32 s7, $0x3  }
0xe: {  	s9 =	sshll.u32 s30, $0x3;
	s31 =	sadd.s32 $0x12840, s6;
	s11 =	smax.u32 s13, $0x1  }
0xf: {  	s13 =	sshll.u32 @!p0 s1, $0x6;
	s14 =	sshrl.u32 @!p0 s14, $0x3;
	s10 =	sadd.s32 s7, s5  }
0x10: {  	s5 =	sadd.s32 s4, s9;
	s6 =	sadd.s32 s4, s31;
	s9 =	sadd.s32 s12, s9  }
0x11: {  	s13 =	sor.u32 @!p0 $0x1C03, s13;
	s7 =	sadd.s32 $0x17A00, s10;
	s8 =	sadd.s32 $0x3400, s10  }
0x12: {  	s10 =	sadd.s32 s12, s31;
	s12 =	sshrl.u32 @p0 s15, $0x3;
	s15 =	simm.s32 $0x3  }
.LBB2_1:
0x13: {  	s25 =	simm.s32 @p0 $0x1FC3  }
0x14: {  	[spmem:s12], [sflag:s25] =	dma.local @p0 [hbm:s6], $0x1040  }
0x15: {  	s25 =	simm.s32 @p0 $0x3  }
0x16: {  	_ =	swait.ge @p0 [sflag:s25], $0x1040  }
0x17: {  	[sflag:s25] =	ssyncset.done @p0 $0x0  }
0x18: {  	[sflag:s25] =	ssyncadd.s32 @p0 $0xFFFFEFC0;
	s25 =	simm.s32 @!p0 $0x3  }
0x19: {  	[spmem:s14], [sflag:s13] =	dma.local @!p0 [hbm:s5], $0x13C0  }
0x1a: {  	_ =	swait.ge @!p0 [sflag:s25], $0x13C0  }
0x1b: {  	[sflag:s25] =	ssyncset.done @!p0 $0x0  }
0x1c: {  	[sflag:s25] =	ssyncadd.s32 @!p0 $0xFFFFEC40  }
0x1d: {  	[bflag:$0x0] =	sbarrier.arrive $0xFFFF  }
0x1e: {  	[tilespmem:s3], [sflag:$0x3] =	stream.linear.gather [hbm4b:s7+s3], $0x5140, $0x38;
	[tilespmem:$0x170E0] =	vst v63  }
0x1f: {  	_ =	swait.ge [sflag:s15], $0x5140  }
0x20: {  	[sflag:s15] =	ssyncset.done $0x0  }
0x21: {  	[sflag:s15] =	ssyncadd.s32 $0xFFFFAEC0  }
0x22: {  	[tilespmem:s16], [sflag:$0x3] =	stream.linear.gather [hbm4b:s8+s3], $0x5140, $0x38;
	[tilespmem:$0x170E0] =	vst v63  }
0x23: {  	_ =	swait.ge [sflag:s15], $0x5140  }
0x24: {  	[sflag:s15] =	ssyncset.done $0x0  }
0x25: {  	[sflag:s15] =	ssyncadd.s32 $0xFFFFAEC0  }
0x26: {  	[tilespmem:s18], [sflag:$0x1] =	stream.indirect.gather [hbm4b:s4+s17], $0x40, s3, s17, $0xb8;
	[tilespmem:$0x170E0] =	vst v63  }
0x27: {  	_ =	swait.ge [sflag:s19], $0x1900  }
0x28: {  	[sflag:s19] =	ssyncset.done $0x0  }
0x29: {  	[sflag:s19] =	ssyncadd.s32 $0xFFFFE700  }
0x2a: {  	[tilespmem:s21], [sflag:$0x2] =	stream.indirect.gather [hbm4b:s4+s17], $0x40, s20, s17, $0xb8;
	[tilespmem:$0x170E0] =	vst v63  }
0x2b: {  	_ = 	snop  }
0x2c: {  	[spmem:s2] =	stream.indirect.scatter.add.f32 [tilespmem:s18], [sflag:$0x3], $0x40, s16, s17, $0xb8;
	[tilespmem:$0x170E0] =	vst v63  }
0x2d: {  	_ =	swait.ge [sflag:s15], $0x1900  }
0x2e: {  	[sflag:s15] =	ssyncset.done $0x0  }
0x2f: {  	s28 =	simm.s32 $0xD0;
	[sflag:s15] =	ssyncadd.s32 $0xFFFFE700  }
0x30: {  	[tilespmem:s18], [sflag:$0x1] =	stream.indirect.gather [hbm4b:s4+s17], $0x40, s28, s17, $0xb8;
	[tilespmem:$0x170E0] =	vst v63  }
0x31: {  	_ =	swait.ge [sflag:s22], $0x1900  }
0x32: {  	[sflag:s22] =	ssyncset.done $0x0  }
0x33: {  	s29 =	simm.s32 $0x51A8;
	[sflag:s22] =	ssyncadd.s32 $0xFFFFE700  }
0x34: {  	[spmem:s2] =	stream.indirect.scatter.add.f32 [tilespmem:s21], [sflag:$0x3], $0x40, s29, s17, $0xb8;
	[tilespmem:$0x170E0] =	vst v63  }
0x35: {  	_ =	swait.ge [sflag:s15], $0x1900  }
0x36: {  	[sflag:s15] =	ssyncset.done $0x0  }
0x37: {  	s30 =	simm.s32 $0x138;
	[sflag:s15] =	ssyncadd.s32 $0xFFFFE700  }
0x38: {  	[tilespmem:s21], [sflag:$0x2] =	stream.indirect.gather [hbm4b:s4+s17], $0x40, s30, s17, $0xb8;
	[tilespmem:$0x170E0] =	vst v63  }
0x39: {  	_ =	swait.ge [sflag:s19], $0x1900  }
0x3a: {  	[sflag:s19] =	ssyncset.done $0x0  }
0x3b: {  	s31 =	simm.s32 $0x5210;
	[sflag:s19] =	ssyncadd.s32 $0xFFFFE700  }
0x3c: {  	[spmem:s2] =	stream.indirect.scatter.add.f32 [tilespmem:s18], [sflag:$0x3], $0x40, s31, s17, $0xb8;
	[tilespmem:$0x170E0] =	vst v63  }
0x3d: {  	_ =	swait.ge [sflag:s15], $0x1900  }
0x3e: {  	s26 =	simm.s32 $0xFFFEC4C0;
	s25 =	simm.s32 $0xFFFFB060;
	[sflag:s15] =	ssyncset.done $0x0  }
.LBB2_2:
0x3f: {  	s28 =	sadd.s32 $0x5140, s25  }
0x40: {  	[sflag:s15] =	ssyncadd.s32 $0xFFFFE700;
	s29 =	smov.u32 s26;
	s30 =	sadd.s32 $0x340, s26  }
0x41: {  	[tilespmem:s18], [sflag:$0x1] =	stream.indirect.gather [hbm4b:s4+s17], $0x40, s28, s17, $0xb8;
	[tilespmem:$0x170E0] =	vst v63  }
0x42: {  	p1 =	sne.s32 s26, $0xFFFFFCC0;
	_ =	swait.ge [sflag:s22], $0x1900  }
0x43: {  	[sflag:s22] =	ssyncset.done $0x0  }
0x44: {  	s26 =	sadd.s32 $0xA218, s25;
	[sflag:s22] =	ssyncadd.s32 $0xFFFFE700  }
0x45: {  	[spmem:s2] =	stream.indirect.scatter.add.f32 [tilespmem:s21], [sflag:$0x3], $0x40, s26, s17, $0xb8;
	[tilespmem:$0x170E0] =	vst v63  }
0x46: {  	_ =	swait.ge [sflag:s15], $0x1900  }
0x47: {  	[sflag:s15] =	ssyncset.done $0x0  }
0x48: {  	s26 =	sadd.s32 $0x51A8, s25;
	[sflag:s15] =	ssyncadd.s32 $0xFFFFE700  }
0x49: {  	[tilespmem:s21], [sflag:$0x2] =	stream.indirect.gather [hbm4b:s4+s17], $0x40, s26, s17, $0xb8;
	[tilespmem:$0x170E0] =	vst v63  }
0x4a: {  	_ =	swait.ge [sflag:s19], $0x1900  }
.Ltmp0:
0x4b: {  	[sflag:s19] =	ssyncset.done $0x0;
	(pc) =	sbr.rel @p1 .LBB2_2-.Ltmp0, $4  }
0x4c: {  	s25 =	sadd.s32 $0xA280, s25;
	[sflag:s19] =	ssyncadd.s32 $0xFFFFE700  }
0x4d: {  	[spmem:s2] =	stream.indirect.scatter.add.f32 [tilespmem:s18], [sflag:$0x3], $0x40, s25, s17, $0xb8;
	[tilespmem:$0x170E0] =	vst v63  }
0x4e: {  	_ =	swait.ge [sflag:s15], $0x1900  }
0x4f: {  	s26 =	smov.u32 s30;
	s25 =	sshra.s32 s29, $0x2;
	[sflag:s15] =	ssyncset.done $0x0  }
0x50: {  	s26 =	sadd.s32 $0x5140, s25;
	[sflag:s15] =	ssyncadd.s32 $0xFFFFE700  }
0x51: {  	[tilespmem:s18], [sflag:$0x1] =	stream.indirect.gather [hbm4b:s4+s17], $0x40, s26, s17, $0xb8;
	[tilespmem:$0x170E0] =	vst v63  }
0x52: {  	_ =	swait.ge [sflag:s22], $0x1900  }
0x53: {  	[sflag:s22] =	ssyncset.done $0x0  }
0x54: {  	s29 =	sadd.s32 $0xA218, s25;
	[sflag:s22] =	ssyncadd.s32 $0xFFFFE700  }
0x55: {  	[spmem:s2] =	stream.indirect.scatter.add.f32 [tilespmem:s21], [sflag:$0x3], $0x40, s29, s17, $0xb8;
	[tilespmem:$0x170E0] =	vst v63  }
0x56: {  	_ =	swait.ge [sflag:s15], $0x1900  }
0x57: {  	[sflag:s15] =	ssyncset.done $0x0  }
0x58: {  	s30 =	sadd.s32 $0x51A8, s25;
	[sflag:s15] =	ssyncadd.s32 $0xFFFFE700  }
0x59: {  	[tilespmem:s21], [sflag:$0x2] =	stream.indirect.gather [hbm4b:s4+s17], $0x40, s30, s17, $0xb8;
	[tilespmem:$0x170E0] =	vst v63  }
0x5a: {  	_ =	swait.ge [sflag:s19], $0x1900  }
0x5b: {  	[sflag:s19] =	ssyncset.done $0x0  }
0x5c: {  	s31 =	sadd.s32 $0xA280, s25;
	[sflag:s19] =	ssyncadd.s32 $0xFFFFE700  }
0x5d: {  	[spmem:s2] =	stream.indirect.scatter.add.f32 [tilespmem:s18], [sflag:$0x3], $0x40, s31, s17, $0xb8;
	[tilespmem:$0x170E0] =	vst v63  }
0x5e: {  	_ =	swait.ge [sflag:s15], $0x1900  }
0x5f: {  	[sflag:s15] =	ssyncset.done $0x0  }
0x60: {  	[sflag:s15] =	ssyncadd.s32 $0xFFFFE700  }
0x61: {  	_ =	swait.ge [sflag:s22], $0x1900  }
0x62: {  	[sflag:s22] =	ssyncset.done $0x0  }
0x63: {  	[sflag:s22] =	ssyncadd.s32 $0xFFFFE700  }
0x64: {  	[spmem:s2] =	stream.indirect.scatter.add.f32 [tilespmem:s21], [sflag:$0x3], $0x40, s23, s17, $0xb8;
	[tilespmem:$0x170E0] =	vst v63  }
0x65: {  	_ =	swait.ge [sflag:s15], $0x1900  }
0x66: {  	[sflag:s15] =	ssyncset.done $0x0  }
0x67: {  	[sflag:s15] =	ssyncadd.s32 $0xFFFFE700  }
0x68: {  	s25 =	simm.s32 @p0 $0x1FC3;
	[bflag:$0x0] =	sbarrier.arrive $0xFFFF  }
0x69: {  	[hbm:s10], [sflag:s25] =	dma.local @p0 [spmem:s12], $0x1040  }
0x6a: {  	s25 =	simm.s32 @p0 $0x3  }
0x6b: {  	s24 =	sadd.s32 $0x1, s24;
	_ =	swait.ge @p0 [sflag:s25], $0x1040  }
0x6c: {  	p1 =	sne.s32 s24, s11;
	[sflag:s25] =	ssyncset.done @p0 $0x0  }
.Ltmp1:
0x6d: {  	[sflag:s25] =	ssyncadd.s32 @p0 $0xFFFFEFC0;
	s25 =	simm.s32 @!p0 $0x3;
	(pc) =	sbr.rel @p1 .LBB2_1-.Ltmp1, $4  }
0x6e: {  	[hbm:s9], [sflag:s13] =	dma.local @!p0 [spmem:s14], $0x13C0  }
0x6f: {  	_ =	swait.ge @!p0 [sflag:s25], $0x13C0  }
0x70: {  	[sflag:s25] =	ssyncset.done @!p0 $0x0  }
0x71: {  	[sflag:s25] =	ssyncadd.s32 @!p0 $0xFFFFEC40  }
0x72: {  	_ =	sfence.sel $0x180000  }
0x73: {  	[bflag:$0x0] =	sbarrier.arrive $0xFFFF  }
0x74: {  	p0 =	sne.s32 s1, $0x0;
	_ =	strace $0x9000004A  }
0x75: {  	s0 =	sadd.s32 @!p0 $0x100000, s0;
	[bflag:$0x2] =	sbarrier.arrive $0xFFFF  }
0x76: {  	[sflag:s0] =	ssyncadd.tile.s32 @!p0 $0x1;
	_ =	shalt  }
.Lfunc_end2:
_tile_overlayer_lowered:
.L_overlay_start_2:
0x77: {  	(tag) =	ssettag $0x2  }
0x78: {  	s0 =	rddreg [dreg:$0x0];
	s2 =	stileid.u32  }
0x79: {  	s1 =	rddreg [dreg:$0x1];
	p0 =	sne.s32 s2, $0x0  }
0x7a: {  	s3 =	rddreg [dreg:$0x2];
	[bflag:$0x3] =	sbarrier.arrive $0xFFFF;
	s2 =	simm.s32 @!p0 $0x1C03  }
0x7b: {  	[timem:s3], [sflag:s2] =	dma.local @!p0 [hbm:s0], s1  }
0x7c: {  	s0 =	simm.s32 @!p0 $0x3  }
0x7d: {  	_ =	swait.ge @!p0 [sflag:s0], s1  }
0x7e: {  	s1 =	ssub.s32 @!p0 $0x0, s1;
	[sflag:s0] =	ssyncset.done @!p0 $0x0  }
0x7f: {  	[sflag:s0] =	ssyncadd.s32 @!p0 s1  }
0x80: {  	[bflag:$0x3] =	sbarrier.arrive $0xFFFF  }
0x81: {  	_ =	shalt  }

// kernel: kernel.8.cloned.1.call-start
scs
__scs_entry_jumppad:
0x0: {  	(pc) =	sbr.rel $0x88, $3  }
0x1: {  	(tag) =	ssettag $0x0;
	lr =	simm.s32 $0x1  }
0x2: {  	[smem:$0x3F87] =	sst lr;
	_ =	strace $0xD0000000  }
0x3: {  	_ = 	snop  }
0x4: {  	_ = 	snop  }
0x5: {  	_ = 	snop  }
0x6: {  	_ = 	snop  }
0x7: {  	_ = 	snop  }
__scs_overlays_trampoline_lowered:
0x8: {  	[smem:$0x3F96] =	sst s0  }
0x9: {  	[smem:$0x3F97] =	sst s1  }
0xa: {  	[smem:$0x3F98] =	sst s2  }
0xb: {  	[smem:$0x3F99] =	sst s3  }
0xc: {  	[smem:$0x3F9A] =	sst s4  }
0xd: {  	[smem:$0x3F9B] =	sst s5  }
0xe: {  	[smem:$0x3F9C] =	sst s6  }
0xf: {  	[smem:$0x3F9D] =	sst s7  }
0x10: {  	[smem:$0x3F9E] =	sst s8  }
0x11: {  	[smem:$0x3F9F] =	sst s9;
	s0 =	simm.s32 @!p0 $0x0  }
0x12: {  	s1 =	sld [smem:$0x3F85];
	s0 =	simm.s32 @p0 $0x1  }
0x13: {  	[smem:$0x3FA0] =	sst s0;
	s0 =	simm.s32 @!p1 $0x0  }
0x14: {  	s2 =	sld [smem:$0x3F84];
	s0 =	simm.s32 @p1 $0x1  }
0x15: {  	[smem:$0x3FA1] =	sst s0;
	s0 =	simm.s32 @!p2 $0x0  }
0x16: {  	s3 =	sld [smem:$0x3FDB];
	s0 =	simm.s32 @p2 $0x1  }
0x17: {  	s4 =	simm.s32 $0x1BF5;
	[smem:$0x3FA3] =	sst s0  }
0x18: {  	s0 =	sld [smem:$0x3F86];
	_ =	swait.ge [sflag:s4], $0x0  }
0x19: {  	s7 =	sld [smem:$0x3F87]  }
0x1a: {  	s8 =	sadd.s32 $0xFFFFE003, lr  }
0x1b: {  	s9 =	sadd.s32 $0xFFFFFEF7, lr;
	s5 =	simm.s32 $0xFFFFFFFF;
	p2 =	slt.u32 s8, $0xFFFFF086  }
0x1c: {  	p1 =	slt.u32 s9, $0xF7A;
	s5 =	simm.s32 @!p2 $0x0  }
0x1d: {  	s5 =	simm.s32 @p1 $0x1;
	p0 =	seq.s32 s7, s2  }
0x1e: {  	s7 =	smul.u32 @!p0 $0xF7A, s2;
	p2 =	seq.s32 @!p0 s5, $0x0  }
0x1f: {  	s9 =	smul.u32 $0xF7A, s1;
	s8 =	simm.s32 @!p0 $0x1BF5;
	p2 =	por !p2, p0  }
0x20: {  	[sflag:s8] =	ssyncset.s32 @!p0 $0xFFFFF086;
	s6 =	sadd.s32 @!p0 s3, s7;
	s7 =	simm.s32 @!p0 $0x108  }
0x21: {  	s3 =	sadd.s32 s3, s9;
	s6 =	sadd.s32 @!p0 $0x88, s6;
	s7 =	simm.s32 @p2 $0x1082  }
0x22: {  	[simem:s7], [sflag:s8] =	dma.local @!p0 [hbm:s6], $0xF7A  }
0x23: {  	s9 =	sor.u32 $0xD0000000, s2;
	s6 =	simm.s32 $0x108;
	_ =	swait.ge @!p0 [sflag:s8], $0x0  }
0x24: {  	s3 =	sadd.s32 $0x88, s3;
	s6 =	simm.s32 @!p1 $0x1082;
	[sflag:s4] =	ssyncset.s32 $0xFFFFF086  }
0x25: {  	[simem:s6], [sflag:s4] =	dma.local [hbm:s3], $0xF7A  }
0x26: {  	[smem:$0x3F87] =	sst s1;
	(tag) =	ssettag s2;
	_ =	strace s9  }
0x27: {  	s1 =	sld [smem:$0x3F97]  }
0x28: {  	s2 =	sld [smem:$0x3F98]  }
0x29: {  	s4 =	sld [smem:$0x3F9A]  }
0x2a: {  	p0 =	seq.s32 s5, $0x0;
	s5 =	sld [smem:$0x3F9B]  }
0x2b: {  	s6 =	sld [smem:$0x3F9C]  }
0x2c: {  	s7 =	sld [smem:$0x3F9D]  }
0x2d: {  	s3 =	simm.s32 $0x108;
	s8 =	sld [smem:$0x3F9E]  }
0x2e: {  	s3 =	simm.s32 @!p0 $0x1082;
	s9 =	sld [smem:$0x3F9F]  }
0x2f: {  	lr =	sadd.s32 s0, s3;
	s0 =	sld [smem:$0x3F96]  }
0x30: {  	s3 =	sld [smem:$0x3F99]  }
0x31: {  	[smem:$0x3FA2] =	sst s10  }
0x32: {  	s10 =	sld [smem:$0x3FA0];
	_ =	sdelay $0x3  }
0x33: {  	p0 =	seq.s32 s10, $0x1;
	s10 =	sld [smem:$0x3FA2];
	_ =	sdelay $0x3  }
0x34: {  	[smem:$0x3FA2] =	sst s10  }
0x35: {  	s10 =	sld [smem:$0x3FA1];
	_ =	sdelay $0x3  }
0x36: {  	p1 =	seq.s32 s10, $0x1;
	s10 =	sld [smem:$0x3FA2];
	_ =	sdelay $0x3  }
0x37: {  	[smem:$0x3FA2] =	sst s10  }
0x38: {  	s10 =	sld [smem:$0x3FA3]  }
0x39: {  	_ = 	snop;
	(pc) =	sbr.ind lr, $3  }
0x3a: {  	_ = 	snop  }
0x3b: {  	_ = 	snop  }
0x3c: {  	p2 =	seq.s32 s10, $0x1;
	s10 =	sld [smem:$0x3FA2]  }
0x3d: {  	_ =	shalt  }
0x3e: {  	_ =	shalt  }
0x3f: {  	_ =	shalt  }
0x40: {  	_ =	shalt  }
0x41: {  	_ =	shalt  }
0x42: {  	_ =	shalt  }
0x43: {  	_ =	shalt  }
0x44: {  	_ =	shalt  }
0x45: {  	_ =	shalt  }
0x46: {  	_ =	shalt  }
0x47: {  	_ =	shalt  }
0x48: {  	_ =	shalt  }
0x49: {  	_ =	shalt  }
0x4a: {  	_ =	shalt  }
0x4b: {  	_ =	shalt  }
0x4c: {  	_ =	shalt  }
0x4d: {  	_ =	shalt  }
0x4e: {  	_ =	shalt  }
0x4f: {  	_ =	shalt  }
0x50: {  	_ =	shalt  }
0x51: {  	_ =	shalt  }
0x52: {  	_ =	shalt  }
0x53: {  	_ =	shalt  }
0x54: {  	_ =	shalt  }
0x55: {  	_ =	shalt  }
0x56: {  	_ =	shalt  }
0x57: {  	_ =	shalt  }
0x58: {  	_ =	shalt  }
0x59: {  	_ =	shalt  }
0x5a: {  	_ =	shalt  }
0x5b: {  	_ =	shalt  }
0x5c: {  	_ =	shalt  }
0x5d: {  	_ =	shalt  }
0x5e: {  	_ =	shalt  }
0x5f: {  	_ =	shalt  }
0x60: {  	_ =	shalt  }
0x61: {  	_ =	shalt  }
0x62: {  	_ =	shalt  }
0x63: {  	_ =	shalt  }
0x64: {  	_ =	shalt  }
0x65: {  	_ =	shalt  }
0x66: {  	_ =	shalt  }
0x67: {  	_ =	shalt  }
0x68: {  	_ =	shalt  }
0x69: {  	_ =	shalt  }
0x6a: {  	_ =	shalt  }
0x6b: {  	_ =	shalt  }
0x6c: {  	_ =	shalt  }
0x6d: {  	_ =	shalt  }
0x6e: {  	_ =	shalt  }
0x6f: {  	_ =	shalt  }
0x70: {  	_ =	shalt  }
0x71: {  	_ =	shalt  }
0x72: {  	_ =	shalt  }
0x73: {  	_ =	shalt  }
0x74: {  	_ =	shalt  }
0x75: {  	_ =	shalt  }
0x76: {  	_ =	shalt  }
0x77: {  	_ =	shalt  }
0x78: {  	_ =	shalt  }
0x79: {  	_ =	shalt  }
0x7a: {  	_ =	shalt  }
0x7b: {  	_ =	shalt  }
0x7c: {  	_ =	shalt  }
0x7d: {  	_ =	shalt  }
0x7e: {  	_ =	shalt  }
0x7f: {  	_ =	shalt  }
0x80: {  	_ =	shalt  }
0x81: {  	_ =	shalt  }
0x82: {  	_ =	shalt  }
0x83: {  	_ =	shalt  }
0x84: {  	_ =	shalt  }
0x85: {  	_ =	shalt  }
0x86: {  	_ =	shalt  }
0x87: {  	_ =	shalt  }
.Lfunc_end0:
.L_simem_size_0:
called_computation_lowered:
.L_overlay_start_0:
0x88: {  	s2 =	sld [smem:$0x3FD9]  }
0x89: {  	s3 =	sld [smem:$0x3FFE];
	_ =	sdelay $0x1  }
0x8a: {  	s1 =	srdreg.scid  }
0x8b: {  	s0 =	sand.u32 $0x1, s1  }
0x8c: {  	s16 =	sshll.u32 s0, $0xA;
	s2 =	sadd.s32 s3, s2  }
0x8d: {  	s2 =	sadd.s32 s2, s16  }
0x8e: {  	[smem:$0x3FAE] =	sst s2  }
0x8f: {  	_ = 	snop  }
0x90: {  	(tm) =	ssettm $0x1  }
0x91: {  	s17 =	sld [smem:$0x3FFB];
	_ =	sdelay $0x3  }
0x92: {  	_ =	strace s17  }
0x93: {  	s2 =	sld [smem:$0x3FFC];
	_ =	sdelay $0x3  }
0x94: {  	_ =	strace s2  }
0x95: {  	s2 =	sld [smem:$0x3FFD];
	_ =	sdelay $0x3  }
0x96: {  	_ =	strace s2  }
0x97: {  	_ =	strace $0x8FFFFFFF  }
0x98: {  	s18 =	sld [smem:$0x3FDB];
	_ =	sdelay $0x1  }
0x99: {  	s19 =	simm.s32 $_scs_section_size  }
0x9a: {  	s4 =	simm.s32 $_size__tile_overlayer_lowered;
	s5 =	simm.s32 $_tile_overlayer_lowered  }
0x9b: {  	s22 =	simm.s32 $0x1BFF;
	s21 =	sshll.u32 s5, $0x1;
	s2 =	sadd.s32 s19, s18  }
0x9c: {  	s6 =	simm.s32 $0x0;
	s20 =	sshll.u32 s4, $0x1;
	s4 =	sadd.s32 s21, s2  }
0x9d: {  	[timem:s6], [sflag:s22] =	dma.local [hbm:s4], s20  }
0x9e: {  	_ =	swait.ge [sflag:s22], s20  }
0x9f: {  	s3 =	ssub.s32 $0x0, s20;
	[sflag:s22] =	ssyncset.done $0x0  }
0xa0: {  	[sflag:s22] =	ssyncadd.s32 s3;
	_ =	sdelay $0x1  }
0xa1: {  	s23 =	simm.s32 $0x1B8B  }
0xa2: {  	_ =	swait.ge [sflag:s23], $0x1  }
0xa3: {  	[sflag:s23] =	ssyncset.done $0x0  }
0xa4: {  	s25 =	simm.s32 $0x1B8E;
	s24 =	sld [smem:$0x3FFE];
	[sflag:s23] =	ssyncadd.s32 $0xFFFFFFFF  }
0xa5: {  	s26 =	simm.s32 $execute0_lowered;
	[smem:$0x3FD2] =	sst s25  }
0xa6: {  	s4 =	sshll.u32 s26, $0x1;
	_ =	strace $0x80000046;
	[dreg:$0x1] =	wrdreg $0xFFFFFFFF  }
0xa7: {  	s28 =	simm.s32 $_size_execute0_lowered;
	s2 =	sadd.s32 s2, s4;
	[dreg:$0x0] =	wrdreg $0x0  }
0xa8: {  	s4 =	sshll.u32 s28, $0x1;
	[dreg:$0x2] =	wrdreg s2  }
0xa9: {  	[dreg:$0x3] =	wrdreg s4  }
0xaa: {  	[dreg:$0x4] =	wrdreg $0xC0  }
0xab: {  	_ =	task [dreg:s6], $0x5FFFF  }
0xac: {  	[dreg:$0x1] =	wrdreg $0xFFFFFFFF  }
0xad: {  	[dreg:$0x0] =	wrdreg $0x60  }
0xae: {  	[dreg:$0x2] =	wrdreg s24  }
0xaf: {  	[dreg:$0x3] =	wrdreg $0xD4800  }
0xb0: {  	[dreg:$0x4] =	wrdreg $0x9  }
0xb1: {  	_ =	task.clear_ibuf [dreg:s6], $0x5FFFF;
	_ =	strace $0x90000046  }
0xb2: {  	s29 =	simm.s32 $0x9;
	_ =	strace $0x80000048  }
0xb3: {  	_ =	swait.ge [sflag:s29], $0x1  }
0xb4: {  	[sflag:s29] =	ssyncadd.s32 $0xFFFFFFFF  }
0xb5: {  	_ =	strace $0x90000048  }
0xb6: {  	_ =	sfence  }
0xb7: {  	s30 =	sld [smem:$0x0];
	_ =	sdelay $0x2  }
0xb8: {  	s31 =	sshll.u32 s1, $0xD;
	s1 =	sshrl.u32 s1, $0x2  }
0xb9: {  	s3 =	sand.u32 $0x4000, s31;
	s1 =	sadd.s32 s1, s30  }
0xba: {  	s0 =	sor.u32 s3, s0;
	s1 =	sshll.u32 s1, $0x11  }
0xbb: {  	s0 =	sor.u32 s1, s0  }
0xbc: {  	s0 =	sadd.s32 $0x8F2B, s0  }
0xbd: {  	[sflag:s0] =	ssyncadd.remote.s32 $0x1  }
0xbe: {  	_ =	sfence.sel $0xFFFF  }
0xbf: {  	[dreg:$0x0] =	wrdreg $0xFFFFFFFF;
	(pc) =	sbr.abs _section_cstart, $3  }
0xc0: {  	[dreg:$0x1] =	wrdreg $0xFFFFFFFF  }
0xc1: {  	_ =	task.clear_ibuf [dreg:s6], $0x2FFFF;
	_ =	strace $0x9FFFFFFF  }
0xc2: {  	(tm) =	ssettm $0x7FFFFFFF  }
0xc3: {  	_ =	shalt  }
tec
execute0_lowered:
.L_overlay_start_1:
0x0: {  	(tag) =	ssettag $0x1  }
0x1: {  	s5 =	rddreg [dreg:$0x0];
	s0 =	srdreg.scid  }
0x2: {  	s2 =	rddreg [dreg:$0x1];
	s1 =	stileid.u32  }
0x3: {  	s3 =	simm.s32 $0x0;
	s16 =	simm.s32 $0x5140;
	s17 =	simm.s32 $0x64  }
0x4: {  	s18 =	simm.s32 $0xA280;
	s19 =	simm.s32 $0x1;
	s20 =	simm.s32 $0x68  }
0x5: {  	s21 =	simm.s32 $0xBB80;
	s22 =	simm.s32 $0x2;
	s7 =	smul.u32 $0x5140, s1  }
0x6: {  	s23 =	simm.s32 $0xA218;
	s24 =	simm.s32 $0x0;
	s9 =	smul.u32 $0x278, s1  }
0x7: {  	s6 =	sand.u32 $0x1, s0;
	s0 =	rddreg [dreg:$0x2];
	s11 =	smul.u32 $0x27800, s1  }
0x8: {  	[smem:$0x7FF] =	sst s3;
	s12 =	sadd.s32 $0x53200, s5;
	s4 =	smul.u32 $0x51400, s6  }
0x9: {  	s15 =	sadd.s32 $0x94200, s2;
	p0 =	seq.s32 s1, $0xF;
	s8 =	smul.u32 $0x2710, s6  }
0xa: {  	_ =	strace $0x80000047;
	s26 =	ssub.s32 $0x2, s6;
	s6 =	smul.u32 $0x9C400, s6  }
0xb: {  	s28 =	sshrl.u32 s26, $0x1;
	s29 =	sshrl.u32 s11, $0x2;
	s7 =	sadd.s32 s7, s4  }
0xc: {  	s4 =	sadd.s32 $0x2C000, s5;
	s13 =	ssub.s32 s26, s28;
	s30 =	sadd.s32 s9, s8  }
0xd: {  	s14 =	sadd.s32 s29, s2;
	s6 =	sshrl.u32 s6, $0x3;
	s7 =	sshrl.u32 s7, $0x3  }
0xe: {  	s9 =	sshll.u32 s30, $0x3;
	s31 =	sadd.s32 $0x12840, s6;
	s11 =	smax.u32 s13, $0x1  }
0xf: {  	s13 =	sshll.u32 @!p0 s1, $0x6;
	s14 =	sshrl.u32 @!p0 s14, $0x3;
	s10 =	sadd.s32 s7, s5  }
0x10: {  	s5 =	sadd.s32 s4, s9;
	s6 =	sadd.s32 s4, s31;
	s9 =	sadd.s32 s12, s9  }
0x11: {  	s13 =	sor.u32 @!p0 $0x1C03, s13;
	s7 =	sadd.s32 $0x17A00, s10;
	s8 =	sadd.s32 $0x3400, s10  }
0x12: {  	s10 =	sadd.s32 s12, s31;
	s12 =	sshrl.u32 @p0 s15, $0x3;
	s15 =	simm.s32 $0x3  }
.LBB2_1:
0x13: {  	s25 =	simm.s32 @p0 $0x1FC3  }
0x14: {  	[spmem:s12], [sflag:s25] =	dma.local @p0 [hbm:s6], $0x1040  }
0x15: {  	s25 =	simm.s32 @p0 $0x3  }
0x16: {  	_ =	swait.ge @p0 [sflag:s25], $0x1040  }
0x17: {  	[sflag:s25] =	ssyncset.done @p0 $0x0  }
0x18: {  	[sflag:s25] =	ssyncadd.s32 @p0 $0xFFFFEFC0;
	s25 =	simm.s32 @!p0 $0x3  }
0x19: {  	[spmem:s14], [sflag:s13] =	dma.local @!p0 [hbm:s5], $0x13C0  }
0x1a: {  	_ =	swait.ge @!p0 [sflag:s25], $0x13C0  }
0x1b: {  	[sflag:s25] =	ssyncset.done @!p0 $0x0  }
0x1c: {  	[sflag:s25] =	ssyncadd.s32 @!p0 $0xFFFFEC40  }
0x1d: {  	[bflag:$0x0] =	sbarrier.arrive $0xFFFF  }
0x1e: {  	[tilespmem:s3], [sflag:$0x3] =	stream.linear.gather [hbm4b:s7+s3], $0x5140, $0x38;
	[tilespmem:$0x170E0] =	vst v63  }
0x1f: {  	_ =	swait.ge [sflag:s15], $0x5140  }
0x20: {  	[sflag:s15] =	ssyncset.done $0x0  }
0x21: {  	[sflag:s15] =	ssyncadd.s32 $0xFFFFAEC0  }
0x22: {  	[tilespmem:s16], [sflag:$0x3] =	stream.linear.gather [hbm4b:s8+s3], $0x5140, $0x38;
	[tilespmem:$0x170E0] =	vst v63  }
0x23: {  	_ =	swait.ge [sflag:s15], $0x5140  }
0x24: {  	[sflag:s15] =	ssyncset.done $0x0  }
0x25: {  	[sflag:s15] =	ssyncadd.s32 $0xFFFFAEC0  }
0x26: {  	[tilespmem:s18], [sflag:$0x1] =	stream.indirect.gather [hbm4b:s4+s17], $0x40, s3, s17, $0xb8;
	[tilespmem:$0x170E0] =	vst v63  }
0x27: {  	_ =	swait.ge [sflag:s19], $0x1900  }
0x28: {  	[sflag:s19] =	ssyncset.done $0x0  }
0x29: {  	[sflag:s19] =	ssyncadd.s32 $0xFFFFE700  }
0x2a: {  	[tilespmem:s21], [sflag:$0x2] =	stream.indirect.gather [hbm4b:s4+s17], $0x40, s20, s17, $0xb8;
	[tilespmem:$0x170E0] =	vst v63  }
0x2b: {  	_ = 	snop  }
0x2c: {  	[spmem:s2] =	stream.indirect.scatter.add.f32 [tilespmem:s18], [sflag:$0x3], $0x40, s16, s17, $0xb8;
	[tilespmem:$0x170E0] =	vst v63  }
0x2d: {  	_ =	swait.ge [sflag:s15], $0x1900  }
0x2e: {  	[sflag:s15] =	ssyncset.done $0x0  }
0x2f: {  	s28 =	simm.s32 $0xD0;
	[sflag:s15] =	ssyncadd.s32 $0xFFFFE700  }
0x30: {  	[tilespmem:s18], [sflag:$0x1] =	stream.indirect.gather [hbm4b:s4+s17], $0x40, s28, s17, $0xb8;
	[tilespmem:$0x170E0] =	vst v63  }
0x31: {  	_ =	swait.ge [sflag:s22], $0x1900  }
0x32: {  	[sflag:s22] =	ssyncset.done $0x0  }
0x33: {  	s29 =	simm.s32 $0x51A8;
	[sflag:s22] =	ssyncadd.s32 $0xFFFFE700  }
0x34: {  	[spmem:s2] =	stream.indirect.scatter.add.f32 [tilespmem:s21], [sflag:$0x3], $0x40, s29, s17, $0xb8;
	[tilespmem:$0x170E0] =	vst v63  }
0x35: {  	_ =	swait.ge [sflag:s15], $0x1900  }
0x36: {  	[sflag:s15] =	ssyncset.done $0x0  }
0x37: {  	s30 =	simm.s32 $0x138;
	[sflag:s15] =	ssyncadd.s32 $0xFFFFE700  }
0x38: {  	[tilespmem:s21], [sflag:$0x2] =	stream.indirect.gather [hbm4b:s4+s17], $0x40, s30, s17, $0xb8;
	[tilespmem:$0x170E0] =	vst v63  }
0x39: {  	_ =	swait.ge [sflag:s19], $0x1900  }
0x3a: {  	[sflag:s19] =	ssyncset.done $0x0  }
0x3b: {  	s31 =	simm.s32 $0x5210;
	[sflag:s19] =	ssyncadd.s32 $0xFFFFE700  }
0x3c: {  	[spmem:s2] =	stream.indirect.scatter.add.f32 [tilespmem:s18], [sflag:$0x3], $0x40, s31, s17, $0xb8;
	[tilespmem:$0x170E0] =	vst v63  }
0x3d: {  	_ =	swait.ge [sflag:s15], $0x1900  }
0x3e: {  	s26 =	simm.s32 $0xFFFEC4C0;
	s25 =	simm.s32 $0xFFFFB060;
	[sflag:s15] =	ssyncset.done $0x0  }
.LBB2_2:
0x3f: {  	s28 =	sadd.s32 $0x5140, s25  }
0x40: {  	[sflag:s15] =	ssyncadd.s32 $0xFFFFE700;
	s29 =	smov.u32 s26;
	s30 =	sadd.s32 $0x340, s26  }
0x41: {  	[tilespmem:s18], [sflag:$0x1] =	stream.indirect.gather [hbm4b:s4+s17], $0x40, s28, s17, $0xb8;
	[tilespmem:$0x170E0] =	vst v63  }
0x42: {  	p1 =	sne.s32 s26, $0xFFFFFCC0;
	_ =	swait.ge [sflag:s22], $0x1900  }
0x43: {  	[sflag:s22] =	ssyncset.done $0x0  }
0x44: {  	s26 =	sadd.s32 $0xA218, s25;
	[sflag:s22] =	ssyncadd.s32 $0xFFFFE700  }
0x45: {  	[spmem:s2] =	stream.indirect.scatter.add.f32 [tilespmem:s21], [sflag:$0x3], $0x40, s26, s17, $0xb8;
	[tilespmem:$0x170E0] =	vst v63  }
0x46: {  	_ =	swait.ge [sflag:s15], $0x1900  }
0x47: {  	[sflag:s15] =	ssyncset.done $0x0  }
0x48: {  	s26 =	sadd.s32 $0x51A8, s25;
	[sflag:s15] =	ssyncadd.s32 $0xFFFFE700  }
0x49: {  	[tilespmem:s21], [sflag:$0x2] =	stream.indirect.gather [hbm4b:s4+s17], $0x40, s26, s17, $0xb8;
	[tilespmem:$0x170E0] =	vst v63  }
0x4a: {  	_ =	swait.ge [sflag:s19], $0x1900  }
.Ltmp0:
0x4b: {  	[sflag:s19] =	ssyncset.done $0x0;
	(pc) =	sbr.rel @p1 .LBB2_2-.Ltmp0, $4  }
0x4c: {  	s25 =	sadd.s32 $0xA280, s25;
	[sflag:s19] =	ssyncadd.s32 $0xFFFFE700  }
0x4d: {  	[spmem:s2] =	stream.indirect.scatter.add.f32 [tilespmem:s18], [sflag:$0x3], $0x40, s25, s17, $0xb8;
	[tilespmem:$0x170E0] =	vst v63  }
0x4e: {  	_ =	swait.ge [sflag:s15], $0x1900  }
0x4f: {  	s26 =	smov.u32 s30;
	s25 =	sshra.s32 s29, $0x2;
	[sflag:s15] =	ssyncset.done $0x0  }
0x50: {  	s26 =	sadd.s32 $0x5140, s25;
	[sflag:s15] =	ssyncadd.s32 $0xFFFFE700  }
0x51: {  	[tilespmem:s18], [sflag:$0x1] =	stream.indirect.gather [hbm4b:s4+s17], $0x40, s26, s17, $0xb8;
	[tilespmem:$0x170E0] =	vst v63  }
0x52: {  	_ =	swait.ge [sflag:s22], $0x1900  }
0x53: {  	[sflag:s22] =	ssyncset.done $0x0  }
0x54: {  	s29 =	sadd.s32 $0xA218, s25;
	[sflag:s22] =	ssyncadd.s32 $0xFFFFE700  }
0x55: {  	[spmem:s2] =	stream.indirect.scatter.add.f32 [tilespmem:s21], [sflag:$0x3], $0x40, s29, s17, $0xb8;
	[tilespmem:$0x170E0] =	vst v63  }
0x56: {  	_ =	swait.ge [sflag:s15], $0x1900  }
0x57: {  	[sflag:s15] =	ssyncset.done $0x0  }
0x58: {  	s30 =	sadd.s32 $0x51A8, s25;
	[sflag:s15] =	ssyncadd.s32 $0xFFFFE700  }
0x59: {  	[tilespmem:s21], [sflag:$0x2] =	stream.indirect.gather [hbm4b:s4+s17], $0x40, s30, s17, $0xb8;
	[tilespmem:$0x170E0] =	vst v63  }
0x5a: {  	_ =	swait.ge [sflag:s19], $0x1900  }
0x5b: {  	[sflag:s19] =	ssyncset.done $0x0  }
0x5c: {  	s31 =	sadd.s32 $0xA280, s25;
	[sflag:s19] =	ssyncadd.s32 $0xFFFFE700  }
0x5d: {  	[spmem:s2] =	stream.indirect.scatter.add.f32 [tilespmem:s18], [sflag:$0x3], $0x40, s31, s17, $0xb8;
	[tilespmem:$0x170E0] =	vst v63  }
0x5e: {  	_ =	swait.ge [sflag:s15], $0x1900  }
0x5f: {  	[sflag:s15] =	ssyncset.done $0x0  }
0x60: {  	[sflag:s15] =	ssyncadd.s32 $0xFFFFE700  }
0x61: {  	_ =	swait.ge [sflag:s22], $0x1900  }
0x62: {  	[sflag:s22] =	ssyncset.done $0x0  }
0x63: {  	[sflag:s22] =	ssyncadd.s32 $0xFFFFE700  }
0x64: {  	[spmem:s2] =	stream.indirect.scatter.add.f32 [tilespmem:s21], [sflag:$0x3], $0x40, s23, s17, $0xb8;
	[tilespmem:$0x170E0] =	vst v63  }
0x65: {  	_ =	swait.ge [sflag:s15], $0x1900  }
0x66: {  	[sflag:s15] =	ssyncset.done $0x0  }
0x67: {  	[sflag:s15] =	ssyncadd.s32 $0xFFFFE700  }
0x68: {  	s25 =	simm.s32 @p0 $0x1FC3;
	[bflag:$0x0] =	sbarrier.arrive $0xFFFF  }
0x69: {  	[hbm:s10], [sflag:s25] =	dma.local @p0 [spmem:s12], $0x1040  }
0x6a: {  	s25 =	simm.s32 @p0 $0x3  }
0x6b: {  	s24 =	sadd.s32 $0x1, s24;
	_ =	swait.ge @p0 [sflag:s25], $0x1040  }
0x6c: {  	p1 =	sne.s32 s24, s11;
	[sflag:s25] =	ssyncset.done @p0 $0x0  }
.Ltmp1:
0x6d: {  	[sflag:s25] =	ssyncadd.s32 @p0 $0xFFFFEFC0;
	s25 =	simm.s32 @!p0 $0x3;
	(pc) =	sbr.rel @p1 .LBB2_1-.Ltmp1, $4  }
0x6e: {  	[hbm:s9], [sflag:s13] =	dma.local @!p0 [spmem:s14], $0x13C0  }
0x6f: {  	_ =	swait.ge @!p0 [sflag:s25], $0x13C0  }
0x70: {  	[sflag:s25] =	ssyncset.done @!p0 $0x0  }
0x71: {  	[sflag:s25] =	ssyncadd.s32 @!p0 $0xFFFFEC40  }
0x72: {  	_ =	sfence.sel $0x180000  }
0x73: {  	[bflag:$0x0] =	sbarrier.arrive $0xFFFF  }
0x74: {  	p0 =	sne.s32 s1, $0x0;
	_ =	strace $0x90000047  }
0x75: {  	s0 =	sadd.s32 @!p0 $0x100000, s0;
	[bflag:$0x2] =	sbarrier.arrive $0xFFFF  }
0x76: {  	[sflag:s0] =	ssyncadd.tile.s32 @!p0 $0x1;
	_ =	shalt  }
.Lfunc_end2:
_tile_overlayer_lowered:
.L_overlay_start_2:
0x77: {  	(tag) =	ssettag $0x2  }
0x78: {  	s0 =	rddreg [dreg:$0x0];
	s2 =	stileid.u32  }
0x79: {  	s1 =	rddreg [dreg:$0x1];
	p0 =	sne.s32 s2, $0x0  }
0x7a: {  	s3 =	rddreg [dreg:$0x2];
	[bflag:$0x3] =	sbarrier.arrive $0xFFFF;
	s2 =	simm.s32 @!p0 $0x1C03  }
0x7b: {  	[timem:s3], [sflag:s2] =	dma.local @!p0 [hbm:s0], s1  }
0x7c: {  	s0 =	simm.s32 @!p0 $0x3  }
0x7d: {  	_ =	swait.ge @!p0 [sflag:s0], s1  }
0x7e: {  	s1 =	ssub.s32 @!p0 $0x0, s1;
	[sflag:s0] =	ssyncset.done @!p0 $0x0  }
0x7f: {  	[sflag:s0] =	ssyncadd.s32 @!p0 s1  }
0x80: {  	[bflag:$0x3] =	sbarrier.arrive $0xFFFF  }
0x81: {  	_ =	shalt  }

</sc_bundles>
